<compile_context>
chip_gen: v7x
topology: tpu7x:2x2x1
jax: 0.10.2.dev20260603
libtpu: 0.0.44.dev20260713+nightly
codegen_flags: <defaults>
</compile_context>

<pallas_src>
import functools

import jax
import jax.numpy as jnp
from jax import lax
from jax.experimental import pallas as pl
from jax.experimental.pallas import tpu as pltpu
from jax.experimental.pallas import tpu_sc as plsc

_F = 26
_V = 100000
_E = 16
_B = 16384

_NC = 2
_NS = 16
_NW = _NC * _NS
_R = _F * _E
_RPW = _R // _NW
_NQ = 4
_QB = _B // _NQ
_UNROLL = 16


def _sc_lookup(tables_t, idx_t):
    mesh = plsc.VectorSubcoreMesh(core_axis_name="c", subcore_axis_name="s")

    @functools.partial(
        pl.kernel,
        mesh=mesh,
        compiler_params=pltpu.CompilerParams(needs_layout_passes=False),
        out_type=jax.ShapeDtypeStruct((_R, _B), jnp.float32),
        scratch_types=[
            pltpu.VMEM((_V,), jnp.float32),
            pltpu.VMEM((_QB,), jnp.int32),
            pltpu.VMEM((_QB,), jnp.int32),
            pltpu.VMEM((_QB,), jnp.float32),
            pltpu.VMEM((_QB,), jnp.float32),
            pltpu.SemaphoreType.DMA,
            pltpu.SemaphoreType.DMA,
        ],
    )
    def k(tbl_hbm, idx_hbm, out_hbm, row_v, ib0, ib1, ob0, ob1, isem, wsem):
        wid = lax.axis_index("s") * _NC + lax.axis_index("c")
        ibufs = (ib0, ib1)
        obufs = (ob0, ob1)

        r0 = wid * _RPW
        pltpu.async_copy(idx_hbm.at[r0 // _E, pl.ds(0, _QB)], ibufs[0], isem)

        def row_body(j, carry):
            r = wid * _RPW + j
            f = r // _E
            pltpu.sync_copy(tbl_hbm.at[r], row_v)

            for q in range(_NQ):
                b0 = q * _QB
                ib = ibufs[q % 2]
                ob = obufs[q % 2]

                pltpu.make_async_copy(
                    idx_hbm.at[f, pl.ds(b0, _QB)], ib, isem).wait()

                if q < _NQ - 1:
                    pltpu.async_copy(
                        idx_hbm.at[f, pl.ds(b0 + _QB, _QB)],
                        ibufs[(q + 1) % 2], isem)
                else:
                    @pl.when(j < _RPW - 1)
                    def _():
                        fn = (r + 1) // _E
                        pltpu.async_copy(
                            idx_hbm.at[fn, pl.ds(0, _QB)],
                            ibufs[(q + 1) % 2], isem)

                if q >= 2:
                    pltpu.make_async_copy(
                        ob, out_hbm.at[r, pl.ds(b0 - 2 * _QB, _QB)],
                        wsem).wait()
                else:
                    @pl.when(j > 0)
                    def _():
                        pltpu.make_async_copy(
                            ob, out_hbm.at[r - 1, pl.ds(b0 + 2 * _QB, _QB)],
                            wsem).wait()

                def g_body(i, c3):
                    base = i * (16 * _UNROLL)
                    for u in range(_UNROLL):
                        s = pl.ds(base + u * 16, 16)
                        ob[s] = plsc.load_gather(row_v, [ib[s]])
                    return c3

                lax.fori_loop(0, _QB // (16 * _UNROLL), g_body, 0)
                pltpu.async_copy(ob, out_hbm.at[r, pl.ds(b0, _QB)], wsem)

            return carry

        lax.fori_loop(0, _RPW, row_body, 0)

        rl = wid * _RPW + _RPW - 1
        pltpu.make_async_copy(
            obufs[0], out_hbm.at[rl, pl.ds(2 * _QB, _QB)], wsem).wait()
        pltpu.make_async_copy(
            obufs[1], out_hbm.at[rl, pl.ds(3 * _QB, _QB)], wsem).wait()

    return k(tables_t, idx_t)


def kernel(indices, tables):
    f, v, e = tables.shape
    tables_t = tables.transpose(0, 2, 1).reshape(f * e, v)
    idx_t = indices.T
    out_t = _sc_lookup(tables_t, idx_t)
    return out_t.reshape(f, e, _B).transpose(2, 0, 1).reshape(_B, f * e)

# --- scband reference (transcript-rebuilt; emitter-appended) ---
"""Pipeline reference for scband-fields-model-34943853920582 (READ-ONLY COPY).

The authoritative reference and input builder live on the scoring server;
editing this copy changes nothing except your own understanding.
"""

import jax, jax.numpy as jnp
import numpy as np

NUM_FIELDS = 26
VOCAB = 100000
EMB_DIM = 16
BATCH = 16384

def setup_inputs(seed: int = 0) -> dict:
    key = jax.random.key(seed)
    k_idx, k_tab = jax.random.split(key)
    indices = jax.random.randint(k_idx, (BATCH, NUM_FIELDS), 0, VOCAB, dtype=jnp.int64 if jax.config.jax_enable_x64 else jnp.int32)
    tables = jax.random.normal(k_tab, (NUM_FIELDS, VOCAB, EMB_DIM), dtype=jnp.float32) * 0.02
    return {"indices": indices, "tables": tables}

def reference(indices, tables):
    # FieldsModel.call: for each column, embed its value via that column's
    # Embedding table, then concat all field embeddings along axis 1.
    # IntegerLookup is an index-mapping layer; here indices are already
    # in-vocab ids, so the lookup reduces to a direct table gather.
    F = tables.shape[0]
    values = []
    for f in range(F):
        emb = jnp.take(tables[f], indices[:, f], axis=0)  # [B, EMB_DIM]
        values.append(emb)
    return jnp.concatenate(values, axis=1)  # [B, F*EMB_DIM]

if __name__ == "__main__":
    import jax
    _d = setup_inputs()
    print(jax.jit(kernel)(*tuple(_d.values())))

</pallas_src>

<mosaic_0001>
#map = affine_map<(d0, d1) -> (0, 0)>
module attributes {stable_mosaic.version = 14 : i64} {
  func.func @k(%arg0: i32, %arg1: i32, %arg2: memref<416x100000xf32, #tpu.memory_space<hbm>>, %arg3: memref<26x16384xi32, #tpu.memory_space<hbm>>, %arg4: memref<416x16384xf32, #tpu.memory_space<hbm>>, %arg5: memref<100000xf32, #tpu.memory_space<vmem>>, %arg6: memref<4096xi32, #tpu.memory_space<vmem>>, %arg7: memref<4096xi32, #tpu.memory_space<vmem>>, %arg8: memref<4096xf32, #tpu.memory_space<vmem>>, %arg9: memref<4096xf32, #tpu.memory_space<vmem>>, %arg10: memref<!tpu.dma_semaphore, #tpu.memory_space<semaphore_mem>>, %arg11: memref<!tpu.dma_semaphore, #tpu.memory_space<semaphore_mem>>) attributes {dimension_semantics = [#tpu.dimension_semantics<core_parallel>, #tpu.dimension_semantics<subcore_parallel>], iteration_bounds = array<i64: 2, 16>, scalar_prefetch = 0 : i64, scratch_operands = 7 : i64, tpu.core_type = #tpu.core_type<sc_vector_subcore>, window_params = [{transform_indices = #map}, {transform_indices = #map}, {transform_indices = #map}]} {
    %mul3A = arith.constant 2 : i32
    %mul3A_0 = arith.muli %arg1, %mul3A : i32
    %add3A = arith.addi %mul3A_0, %arg0 : i32
    %mul3A_1 = arith.constant 13 : i32
    %mul3A_2 = arith.muli %add3A, %mul3A_1 : i32
    %jit3A = arith.constant 16 : i32
    %div3A = arith.divsi %mul3A_2, %jit3A : i32
    %sign3A = arith.constant 0 : i32
    %sign3A_3 = arith.cmpi sgt, %mul3A_2, %sign3A : i32
    %sign3A_4 = arith.extui %sign3A_3 : i1 to i32
    %sign3A_5 = arith.constant 0 : i32
    %sign3A_6 = arith.cmpi slt, %mul3A_2, %sign3A_5 : i32
    %sign3A_7 = arith.extui %sign3A_6 : i1 to i32
    %sign3A_8 = arith.subi %sign3A_4, %sign3A_7 : i32
    %sign3A_9 = arith.constant 0 : i32
    %sign3A_10 = arith.cmpi sgt, %jit3A, %sign3A_9 : i32
    %sign3A_11 = arith.extui %sign3A_10 : i1 to i32
    %sign3A_12 = arith.constant 0 : i32
    %sign3A_13 = arith.cmpi slt, %jit3A, %sign3A_12 : i32
    %sign3A_14 = arith.extui %sign3A_13 : i1 to i32
    %sign3A_15 = arith.subi %sign3A_11, %sign3A_14 : i32
    %ne3A = arith.cmpi ne, %sign3A_8, %sign3A_15 : i32
    %rem3A = arith.remsi %mul3A_2, %jit3A : i32
    %ne3A_16 = arith.constant 0 : i32
    %ne3A_17 = arith.cmpi ne, %rem3A, %ne3A_16 : i32
    %and3A = arith.andi %ne3A, %ne3A_17 : i1
    %sub3A = arith.constant 1 : i32
    %sub3A_18 = arith.subi %div3A, %sub3A : i32
    %select_n3A = arith.select %and3A, %sub3A_18, %div3A : i32
    %dma_start3A = arith.constant 0 : i32
    %dma_start3A_19 = tpu.memref_slice %arg3[%select_n3A, %dma_start3A] : memref<26x16384xi32, #tpu.memory_space<hbm>> -> memref<1x4096xi32, #tpu.memory_space<hbm>>
    %dma_start3A_20 = tpu.memref_squeeze %dma_start3A_19 : memref<1x4096xi32, #tpu.memory_space<hbm>> -> memref<4096xi32, #tpu.memory_space<hbm>>
    %dma_start3A_21 = arith.constant 0 : i32
    %dma_start3A_22 = tpu.memref_slice %arg3[%select_n3A, %dma_start3A_21] : memref<26x16384xi32, #tpu.memory_space<hbm>> -> memref<1x4096xi32, #tpu.memory_space<hbm>>
    %dma_start3A_23 = tpu.memref_squeeze %dma_start3A_22 : memref<1x4096xi32, #tpu.memory_space<hbm>> -> memref<4096xi32, #tpu.memory_space<hbm>>
    tpu.enqueue_dma source(%dma_start3A_23 : memref<4096xi32, #tpu.memory_space<hbm>>) target(%arg6 : memref<4096xi32, #tpu.memory_space<vmem>>) target_semaphore(%arg10 : memref<!tpu.dma_semaphore, #tpu.memory_space<semaphore_mem>>)
    %scan3A = arith.constant 0 : i32
    %scan3A_24 = arith.constant 0 : i32
    %scan3A_25 = arith.constant 13 : i32
    %scan3A_26 = arith.addi %scan3A_24, %scan3A_25 : i32
    %scan3A_27 = arith.constant 1 : i32
    scf.for %scan3A_46 = %scan3A_24 to %scan3A_26 step %scan3A_27  : i32 {
      %mul3A_47 = arith.constant 13 : i32
      %mul3A_48 = arith.muli %add3A, %mul3A_47 : i32
      %add3A_49 = arith.addi %mul3A_48, %scan3A_46 : i32
      %jit3A_50 = arith.constant 16 : i32
      %div3A_51 = arith.divsi %add3A_49, %jit3A_50 : i32
      %sign3A_52 = arith.constant 0 : i32
      %sign3A_53 = arith.cmpi sgt, %add3A_49, %sign3A_52 : i32
      %sign3A_54 = arith.extui %sign3A_53 : i1 to i32
      %sign3A_55 = arith.constant 0 : i32
      %sign3A_56 = arith.cmpi slt, %add3A_49, %sign3A_55 : i32
      %sign3A_57 = arith.extui %sign3A_56 : i1 to i32
      %sign3A_58 = arith.subi %sign3A_54, %sign3A_57 : i32
      %sign3A_59 = arith.constant 0 : i32
      %sign3A_60 = arith.cmpi sgt, %jit3A_50, %sign3A_59 : i32
      %sign3A_61 = arith.extui %sign3A_60 : i1 to i32
      %sign3A_62 = arith.constant 0 : i32
      %sign3A_63 = arith.cmpi slt, %jit3A_50, %sign3A_62 : i32
      %sign3A_64 = arith.extui %sign3A_63 : i1 to i32
      %sign3A_65 = arith.subi %sign3A_61, %sign3A_64 : i32
      %ne3A_66 = arith.cmpi ne, %sign3A_58, %sign3A_65 : i32
      %rem3A_67 = arith.remsi %add3A_49, %jit3A_50 : i32
      %ne3A_68 = arith.constant 0 : i32
      %ne3A_69 = arith.cmpi ne, %rem3A_67, %ne3A_68 : i32
      %and3A_70 = arith.andi %ne3A_66, %ne3A_69 : i1
      %sub3A_71 = arith.constant 1 : i32
      %sub3A_72 = arith.subi %div3A_51, %sub3A_71 : i32
      %select_n3A_73 = arith.select %and3A_70, %sub3A_72, %div3A_51 : i32
      "tpu.region"() ({
        %run_scoped3A = tpu.sem_alloc : memref<!tpu.dma_semaphore, #tpu.memory_space<semaphore_mem>>
        %dma_start3A_187 = arith.constant 0 : i32
        %dma_start3A_188 = tpu.memref_slice %arg2[%add3A_49, %dma_start3A_187] : memref<416x100000xf32, #tpu.memory_space<hbm>> -> memref<1x100000xf32, #tpu.memory_space<hbm>>
        %dma_start3A_189 = tpu.memref_squeeze %dma_start3A_188 : memref<1x100000xf32, #tpu.memory_space<hbm>> -> memref<100000xf32, #tpu.memory_space<hbm>>
        %dma_start3A_190 = arith.constant 0 : i32
        %dma_start3A_191 = tpu.memref_slice %arg2[%add3A_49, %dma_start3A_190] : memref<416x100000xf32, #tpu.memory_space<hbm>> -> memref<1x100000xf32, #tpu.memory_space<hbm>>
        %dma_start3A_192 = tpu.memref_squeeze %dma_start3A_191 : memref<1x100000xf32, #tpu.memory_space<hbm>> -> memref<100000xf32, #tpu.memory_space<hbm>>
        tpu.enqueue_dma source(%dma_start3A_192 : memref<100000xf32, #tpu.memory_space<hbm>>) target(%arg5 : memref<100000xf32, #tpu.memory_space<vmem>>) target_semaphore(%run_scoped3A : memref<!tpu.dma_semaphore, #tpu.memory_space<semaphore_mem>>)
        %dma_wait3A_193 = arith.constant 0 : i32
        %dma_wait3A_194 = tpu.memref_slice %arg2[%add3A_49, %dma_wait3A_193] : memref<416x100000xf32, #tpu.memory_space<hbm>> -> memref<1x100000xf32, #tpu.memory_space<hbm>>
        %dma_wait3A_195 = tpu.memref_squeeze %dma_wait3A_194 : memref<1x100000xf32, #tpu.memory_space<hbm>> -> memref<100000xf32, #tpu.memory_space<hbm>>
        %dma_wait3A_196 = arith.constant 0 : i32
        %dma_wait3A_197 = tpu.memref_slice %arg2[%add3A_49, %dma_wait3A_196] : memref<416x100000xf32, #tpu.memory_space<hbm>> -> memref<1x100000xf32, #tpu.memory_space<hbm>>
        %dma_wait3A_198 = tpu.memref_squeeze %dma_wait3A_197 : memref<1x100000xf32, #tpu.memory_space<hbm>> -> memref<100000xf32, #tpu.memory_space<hbm>>
        tpu.wait_dma2 semaphore(%run_scoped3A : memref<!tpu.dma_semaphore, #tpu.memory_space<semaphore_mem>>) src(%dma_wait3A_198 : memref<100000xf32, #tpu.memory_space<hbm>>) dst(%arg5 : memref<100000xf32, #tpu.memory_space<vmem>>)
        tpu.yield
      }) : () -> ()
      %dma_wait3A_74 = arith.constant 0 : i32
      %dma_wait3A_75 = tpu.memref_slice %arg3[%select_n3A_73, %dma_wait3A_74] : memref<26x16384xi32, #tpu.memory_space<hbm>> -> memref<1x4096xi32, #tpu.memory_space<hbm>>
      %dma_wait3A_76 = tpu.memref_squeeze %dma_wait3A_75 : memref<1x4096xi32, #tpu.memory_space<hbm>> -> memref<4096xi32, #tpu.memory_space<hbm>>
      %dma_wait3A_77 = arith.constant 0 : i32
      %dma_wait3A_78 = tpu.memref_slice %arg3[%select_n3A_73, %dma_wait3A_77] : memref<26x16384xi32, #tpu.memory_space<hbm>> -> memref<1x4096xi32, #tpu.memory_space<hbm>>
      %dma_wait3A_79 = tpu.memref_squeeze %dma_wait3A_78 : memref<1x4096xi32, #tpu.memory_space<hbm>> -> memref<4096xi32, #tpu.memory_space<hbm>>
      tpu.wait_dma2 semaphore(%arg10 : memref<!tpu.dma_semaphore, #tpu.memory_space<semaphore_mem>>) src(%dma_wait3A_79 : memref<4096xi32, #tpu.memory_space<hbm>>) dst(%arg6 : memref<4096xi32, #tpu.memory_space<vmem>>)
      %dma_start3A_80 = arith.constant 4096 : i32
      %dma_start3A_81 = tpu.memref_slice %arg3[%select_n3A_73, %dma_start3A_80] : memref<26x16384xi32, #tpu.memory_space<hbm>> -> memref<1x4096xi32, #tpu.memory_space<hbm>>
      %dma_start3A_82 = tpu.memref_squeeze %dma_start3A_81 : memref<1x4096xi32, #tpu.memory_space<hbm>> -> memref<4096xi32, #tpu.memory_space<hbm>>
      %dma_start3A_83 = arith.constant 4096 : i32
      %dma_start3A_84 = tpu.memref_slice %arg3[%select_n3A_73, %dma_start3A_83] : memref<26x16384xi32, #tpu.memory_space<hbm>> -> memref<1x4096xi32, #tpu.memory_space<hbm>>
      %dma_start3A_85 = tpu.memref_squeeze %dma_start3A_84 : memref<1x4096xi32, #tpu.memory_space<hbm>> -> memref<4096xi32, #tpu.memory_space<hbm>>
      tpu.enqueue_dma source(%dma_start3A_85 : memref<4096xi32, #tpu.memory_space<hbm>>) target(%arg7 : memref<4096xi32, #tpu.memory_space<vmem>>) target_semaphore(%arg10 : memref<!tpu.dma_semaphore, #tpu.memory_space<semaphore_mem>>)
      %gt3A = arith.constant 0 : i32
      %gt3A_86 = arith.cmpi sgt, %scan3A_46, %gt3A : i32
      %convert_element_type3A = arith.extui %gt3A_86 : i1 to i32
      %cond3A = arith.constant 0 : i32
      %cond3A_87 = arith.cmpi ne, %convert_element_type3A, %cond3A : i32
      scf.if %cond3A_87 {
        %sub3A_187 = arith.constant 1 : i32
        %sub3A_188 = arith.subi %add3A_49, %sub3A_187 : i32
        %dma_wait3A_189 = arith.constant 8192 : i32
        %dma_wait3A_190 = tpu.memref_slice %arg4[%sub3A_188, %dma_wait3A_189] : memref<416x16384xf32, #tpu.memory_space<hbm>> -> memref<1x4096xf32, #tpu.memory_space<hbm>>
        %dma_wait3A_191 = tpu.memref_squeeze %dma_wait3A_190 : memref<1x4096xf32, #tpu.memory_space<hbm>> -> memref<4096xf32, #tpu.memory_space<hbm>>
        %dma_wait3A_192 = arith.constant 8192 : i32
        %dma_wait3A_193 = tpu.memref_slice %arg4[%sub3A_188, %dma_wait3A_192] : memref<416x16384xf32, #tpu.memory_space<hbm>> -> memref<1x4096xf32, #tpu.memory_space<hbm>>
        %dma_wait3A_194 = tpu.memref_squeeze %dma_wait3A_193 : memref<1x4096xf32, #tpu.memory_space<hbm>> -> memref<4096xf32, #tpu.memory_space<hbm>>
        tpu.wait_dma2 semaphore(%arg11 : memref<!tpu.dma_semaphore, #tpu.memory_space<semaphore_mem>>) src(%arg8 : memref<4096xf32, #tpu.memory_space<vmem>>) dst(%dma_wait3A_194 : memref<4096xf32, #tpu.memory_space<hbm>>)
      } else {
      }
      %scan3A_88 = arith.constant 0 : i32
      %scan3A_89 = arith.constant 0 : i32
      %scan3A_90 = arith.constant 16 : i32
      %scan3A_91 = arith.addi %scan3A_89, %scan3A_90 : i32
      %scan3A_92 = arith.constant 1 : i32
      scf.for %scan3A_187 = %scan3A_89 to %scan3A_91 step %scan3A_92  : i32 {
        %mul3A_188 = arith.constant 256 : i32
        %mul3A_189 = arith.muli %scan3A_187, %mul3A_188 : i32
        %add3A_190 = arith.constant 0 : i32
        %add3A_191 = arith.addi %mul3A_189, %add3A_190 : i32
        %get3A = arith.index_cast %add3A_191 : i32 to index
        %get3A_192 = tpu.vector_load %arg6[%get3A] {strides = array<i32>} : memref<4096xi32, #tpu.memory_space<vmem>>, vector<16xi32>,
        %gather3A = tpu.vector_load_idx %arg5[%get3A_192] : memref<100000xf32, #tpu.memory_space<vmem>>[vector<16xi32>], vector<16xf32>,
        %swap3A = arith.index_cast %add3A_191 : i32 to index
        %swap3A_193 = tpu.vector_load %arg8[%swap3A] {strides = array<i32>} : memref<4096xf32, #tpu.memory_space<vmem>>, vector<16xf32>,
        tpu.vector_store %arg8[%swap3A], %gather3A {strides = array<i32>} : memref<4096xf32, #tpu.memory_space<vmem>>, vector<16xf32>,
        %add3A_194 = arith.constant 16 : i32
        %add3A_195 = arith.addi %mul3A_189, %add3A_194 : i32
        %get3A_196 = arith.index_cast %add3A_195 : i32 to index
        %get3A_197 = tpu.vector_load %arg6[%get3A_196] {strides = array<i32>} : memref<4096xi32, #tpu.memory_space<vmem>>, vector<16xi32>,
        %gather3A_198 = tpu.vector_load_idx %arg5[%get3A_197] : memref<100000xf32, #tpu.memory_space<vmem>>[vector<16xi32>], vector<16xf32>,
        %swap3A_199 = arith.index_cast %add3A_195 : i32 to index
        %swap3A_200 = tpu.vector_load %arg8[%swap3A_199] {strides = array<i32>} : memref<4096xf32, #tpu.memory_space<vmem>>, vector<16xf32>,
        tpu.vector_store %arg8[%swap3A_199], %gather3A_198 {strides = array<i32>} : memref<4096xf32, #tpu.memory_space<vmem>>, vector<16xf32>,
        %add3A_201 = arith.constant 32 : i32
        %add3A_202 = arith.addi %mul3A_189, %add3A_201 : i32
        %get3A_203 = arith.index_cast %add3A_202 : i32 to index
        %get3A_204 = tpu.vector_load %arg6[%get3A_203] {strides = array<i32>} : memref<4096xi32, #tpu.memory_space<vmem>>, vector<16xi32>,
        %gather3A_205 = tpu.vector_load_idx %arg5[%get3A_204] : memref<100000xf32, #tpu.memory_space<vmem>>[vector<16xi32>], vector<16xf32>,
        %swap3A_206 = arith.index_cast %add3A_202 : i32 to index
        %swap3A_207 = tpu.vector_load %arg8[%swap3A_206] {strides = array<i32>} : memref<4096xf32, #tpu.memory_space<vmem>>, vector<16xf32>,
        tpu.vector_store %arg8[%swap3A_206], %gather3A_205 {strides = array<i32>} : memref<4096xf32, #tpu.memory_space<vmem>>, vector<16xf32>,
        %add3A_208 = arith.constant 48 : i32
        %add3A_209 = arith.addi %mul3A_189, %add3A_208 : i32
        %get3A_210 = arith.index_cast %add3A_209 : i32 to index
        %get3A_211 = tpu.vector_load %arg6[%get3A_210] {strides = array<i32>} : memref<4096xi32, #tpu.memory_space<vmem>>, vector<16xi32>,
        %gather3A_212 = tpu.vector_load_idx %arg5[%get3A_211] : memref<100000xf32, #tpu.memory_space<vmem>>[vector<16xi32>], vector<16xf32>,
        %swap3A_213 = arith.index_cast %add3A_209 : i32 to index
        %swap3A_214 = tpu.vector_load %arg8[%swap3A_213] {strides = array<i32>} : memref<4096xf32, #tpu.memory_space<vmem>>, vector<16xf32>,
        tpu.vector_store %arg8[%swap3A_213], %gather3A_212 {strides = array<i32>} : memref<4096xf32, #tpu.memory_space<vmem>>, vector<16xf32>,
        %add3A_215 = arith.constant 64 : i32
        %add3A_216 = arith.addi %mul3A_189, %add3A_215 : i32
        %get3A_217 = arith.index_cast %add3A_216 : i32 to index
        %get3A_218 = tpu.vector_load %arg6[%get3A_217] {strides = array<i32>} : memref<4096xi32, #tpu.memory_space<vmem>>, vector<16xi32>,
        %gather3A_219 = tpu.vector_load_idx %arg5[%get3A_218] : memref<100000xf32, #tpu.memory_space<vmem>>[vector<16xi32>], vector<16xf32>,
        %swap3A_220 = arith.index_cast %add3A_216 : i32 to index
        %swap3A_221 = tpu.vector_load %arg8[%swap3A_220] {strides = array<i32>} : memref<4096xf32, #tpu.memory_space<vmem>>, vector<16xf32>,
        tpu.vector_store %arg8[%swap3A_220], %gather3A_219 {strides = array<i32>} : memref<4096xf32, #tpu.memory_space<vmem>>, vector<16xf32>,
        %add3A_222 = arith.constant 80 : i32
        %add3A_223 = arith.addi %mul3A_189, %add3A_222 : i32
        %get3A_224 = arith.index_cast %add3A_223 : i32 to index
        %get3A_225 = tpu.vector_load %arg6[%get3A_224] {strides = array<i32>} : memref<4096xi32, #tpu.memory_space<vmem>>, vector<16xi32>,
        %gather3A_226 = tpu.vector_load_idx %arg5[%get3A_225] : memref<100000xf32, #tpu.memory_space<vmem>>[vector<16xi32>], vector<16xf32>,
        %swap3A_227 = arith.index_cast %add3A_223 : i32 to index
        %swap3A_228 = tpu.vector_load %arg8[%swap3A_227] {strides = array<i32>} : memref<4096xf32, #tpu.memory_space<vmem>>, vector<16xf32>,
        tpu.vector_store %arg8[%swap3A_227], %gather3A_226 {strides = array<i32>} : memref<4096xf32, #tpu.memory_space<vmem>>, vector<16xf32>,
        %add3A_229 = arith.constant 96 : i32
        %add3A_230 = arith.addi %mul3A_189, %add3A_229 : i32
        %get3A_231 = arith.index_cast %add3A_230 : i32 to index
        %get3A_232 = tpu.vector_load %arg6[%get3A_231] {strides = array<i32>} : memref<4096xi32, #tpu.memory_space<vmem>>, vector<16xi32>,
        %gather3A_233 = tpu.vector_load_idx %arg5[%get3A_232] : memref<100000xf32, #tpu.memory_space<vmem>>[vector<16xi32>], vector<16xf32>,
        %swap3A_234 = arith.index_cast %add3A_230 : i32 to index
        %swap3A_235 = tpu.vector_load %arg8[%swap3A_234] {strides = array<i32>} : memref<4096xf32, #tpu.memory_space<vmem>>, vector<16xf32>,
        tpu.vector_store %arg8[%swap3A_234], %gather3A_233 {strides = array<i32>} : memref<4096xf32, #tpu.memory_space<vmem>>, vector<16xf32>,
        %add3A_236 = arith.constant 112 : i32
        %add3A_237 = arith.addi %mul3A_189, %add3A_236 : i32
        %get3A_238 = arith.index_cast %add3A_237 : i32 to index
        %get3A_239 = tpu.vector_load %arg6[%get3A_238] {strides = array<i32>} : memref<4096xi32, #tpu.memory_space<vmem>>, vector<16xi32>,
        %gather3A_240 = tpu.vector_load_idx %arg5[%get3A_239] : memref<100000xf32, #tpu.memory_space<vmem>>[vector<16xi32>], vector<16xf32>,
        %swap3A_241 = arith.index_cast %add3A_237 : i32 to index
        %swap3A_242 = tpu.vector_load %arg8[%swap3A_241] {strides = array<i32>} : memref<4096xf32, #tpu.memory_space<vmem>>, vector<16xf32>,
        tpu.vector_store %arg8[%swap3A_241], %gather3A_240 {strides = array<i32>} : memref<4096xf32, #tpu.memory_space<vmem>>, vector<16xf32>,
        %add3A_243 = arith.constant 128 : i32
        %add3A_244 = arith.addi %mul3A_189, %add3A_243 : i32
        %get3A_245 = arith.index_cast %add3A_244 : i32 to index
        %get3A_246 = tpu.vector_load %arg6[%get3A_245] {strides = array<i32>} : memref<4096xi32, #tpu.memory_space<vmem>>, vector<16xi32>,
        %gather3A_247 = tpu.vector_load_idx %arg5[%get3A_246] : memref<100000xf32, #tpu.memory_space<vmem>>[vector<16xi32>], vector<16xf32>,
        %swap3A_248 = arith.index_cast %add3A_244 : i32 to index
        %swap3A_249 = tpu.vector_load %arg8[%swap3A_248] {strides = array<i32>} : memref<4096xf32, #tpu.memory_space<vmem>>, vector<16xf32>,
        tpu.vector_store %arg8[%swap3A_248], %gather3A_247 {strides = array<i32>} : memref<4096xf32, #tpu.memory_space<vmem>>, vector<16xf32>,
        %add3A_250 = arith.constant 144 : i32
        %add3A_251 = arith.addi %mul3A_189, %add3A_250 : i32
        %get3A_252 = arith.index_cast %add3A_251 : i32 to index
        %get3A_253 = tpu.vector_load %arg6[%get3A_252] {strides = array<i32>} : memref<4096xi32, #tpu.memory_space<vmem>>, vector<16xi32>,
        %gather3A_254 = tpu.vector_load_idx %arg5[%get3A_253] : memref<100000xf32, #tpu.memory_space<vmem>>[vector<16xi32>], vector<16xf32>,
        %swap3A_255 = arith.index_cast %add3A_251 : i32 to index
        %swap3A_256 = tpu.vector_load %arg8[%swap3A_255] {strides = array<i32>} : memref<4096xf32, #tpu.memory_space<vmem>>, vector<16xf32>,
        tpu.vector_store %arg8[%swap3A_255], %gather3A_254 {strides = array<i32>} : memref<4096xf32, #tpu.memory_space<vmem>>, vector<16xf32>,
        %add3A_257 = arith.constant 160 : i32
        %add3A_258 = arith.addi %mul3A_189, %add3A_257 : i32
        %get3A_259 = arith.index_cast %add3A_258 : i32 to index
        %get3A_260 = tpu.vector_load %arg6[%get3A_259] {strides = array<i32>} : memref<4096xi32, #tpu.memory_space<vmem>>, vector<16xi32>,
        %gather3A_261 = tpu.vector_load_idx %arg5[%get3A_260] : memref<100000xf32, #tpu.memory_space<vmem>>[vector<16xi32>], vector<16xf32>,
        %swap3A_262 = arith.index_cast %add3A_258 : i32 to index
        %swap3A_263 = tpu.vector_load %arg8[%swap3A_262] {strides = array<i32>} : memref<4096xf32, #tpu.memory_space<vmem>>, vector<16xf32>,
        tpu.vector_store %arg8[%swap3A_262], %gather3A_261 {strides = array<i32>} : memref<4096xf32, #tpu.memory_space<vmem>>, vector<16xf32>,
        %add3A_264 = arith.constant 176 : i32
        %add3A_265 = arith.addi %mul3A_189, %add3A_264 : i32
        %get3A_266 = arith.index_cast %add3A_265 : i32 to index
        %get3A_267 = tpu.vector_load %arg6[%get3A_266] {strides = array<i32>} : memref<4096xi32, #tpu.memory_space<vmem>>, vector<16xi32>,
        %gather3A_268 = tpu.vector_load_idx %arg5[%get3A_267] : memref<100000xf32, #tpu.memory_space<vmem>>[vector<16xi32>], vector<16xf32>,
        %swap3A_269 = arith.index_cast %add3A_265 : i32 to index
        %swap3A_270 = tpu.vector_load %arg8[%swap3A_269] {strides = array<i32>} : memref<4096xf32, #tpu.memory_space<vmem>>, vector<16xf32>,
        tpu.vector_store %arg8[%swap3A_269], %gather3A_268 {strides = array<i32>} : memref<4096xf32, #tpu.memory_space<vmem>>, vector<16xf32>,
        %add3A_271 = arith.constant 192 : i32
        %add3A_272 = arith.addi %mul3A_189, %add3A_271 : i32
        %get3A_273 = arith.index_cast %add3A_272 : i32 to index
        %get3A_274 = tpu.vector_load %arg6[%get3A_273] {strides = array<i32>} : memref<4096xi32, #tpu.memory_space<vmem>>, vector<16xi32>,
        %gather3A_275 = tpu.vector_load_idx %arg5[%get3A_274] : memref<100000xf32, #tpu.memory_space<vmem>>[vector<16xi32>], vector<16xf32>,
        %swap3A_276 = arith.index_cast %add3A_272 : i32 to index
        %swap3A_277 = tpu.vector_load %arg8[%swap3A_276] {strides = array<i32>} : memref<4096xf32, #tpu.memory_space<vmem>>, vector<16xf32>,
        tpu.vector_store %arg8[%swap3A_276], %gather3A_275 {strides = array<i32>} : memref<4096xf32, #tpu.memory_space<vmem>>, vector<16xf32>,
        %add3A_278 = arith.constant 208 : i32
        %add3A_279 = arith.addi %mul3A_189, %add3A_278 : i32
        %get3A_280 = arith.index_cast %add3A_279 : i32 to index
        %get3A_281 = tpu.vector_load %arg6[%get3A_280] {strides = array<i32>} : memref<4096xi32, #tpu.memory_space<vmem>>, vector<16xi32>,
        %gather3A_282 = tpu.vector_load_idx %arg5[%get3A_281] : memref<100000xf32, #tpu.memory_space<vmem>>[vector<16xi32>], vector<16xf32>,
        %swap3A_283 = arith.index_cast %add3A_279 : i32 to index
        %swap3A_284 = tpu.vector_load %arg8[%swap3A_283] {strides = array<i32>} : memref<4096xf32, #tpu.memory_space<vmem>>, vector<16xf32>,
        tpu.vector_store %arg8[%swap3A_283], %gather3A_282 {strides = array<i32>} : memref<4096xf32, #tpu.memory_space<vmem>>, vector<16xf32>,
        %add3A_285 = arith.constant 224 : i32
        %add3A_286 = arith.addi %mul3A_189, %add3A_285 : i32
        %get3A_287 = arith.index_cast %add3A_286 : i32 to index
        %get3A_288 = tpu.vector_load %arg6[%get3A_287] {strides = array<i32>} : memref<4096xi32, #tpu.memory_space<vmem>>, vector<16xi32>,
        %gather3A_289 = tpu.vector_load_idx %arg5[%get3A_288] : memref<100000xf32, #tpu.memory_space<vmem>>[vector<16xi32>], vector<16xf32>,
        %swap3A_290 = arith.index_cast %add3A_286 : i32 to index
        %swap3A_291 = tpu.vector_load %arg8[%swap3A_290] {strides = array<i32>} : memref<4096xf32, #tpu.memory_space<vmem>>, vector<16xf32>,
        tpu.vector_store %arg8[%swap3A_290], %gather3A_289 {strides = array<i32>} : memref<4096xf32, #tpu.memory_space<vmem>>, vector<16xf32>,
        %add3A_292 = arith.constant 240 : i32
        %add3A_293 = arith.addi %mul3A_189, %add3A_292 : i32
        %get3A_294 = arith.index_cast %add3A_293 : i32 to index
        %get3A_295 = tpu.vector_load %arg6[%get3A_294] {strides = array<i32>} : memref<4096xi32, #tpu.memory_space<vmem>>, vector<16xi32>,
        %gather3A_296 = tpu.vector_load_idx %arg5[%get3A_295] : memref<100000xf32, #tpu.memory_space<vmem>>[vector<16xi32>], vector<16xf32>,
        %swap3A_297 = arith.index_cast %add3A_293 : i32 to index
        %swap3A_298 = tpu.vector_load %arg8[%swap3A_297] {strides = array<i32>} : memref<4096xf32, #tpu.memory_space<vmem>>, vector<16xf32>,
        tpu.vector_store %arg8[%swap3A_297], %gather3A_296 {strides = array<i32>} : memref<4096xf32, #tpu.memory_space<vmem>>, vector<16xf32>,
      }
      %scan3A_93 = arith.constant 16 : i32
      %dma_start3A_94 = arith.constant 0 : i32
      %dma_start3A_95 = tpu.memref_slice %arg4[%add3A_49, %dma_start3A_94] : memref<416x16384xf32, #tpu.memory_space<hbm>> -> memref<1x4096xf32, #tpu.memory_space<hbm>>
      %dma_start3A_96 = tpu.memref_squeeze %dma_start3A_95 : memref<1x4096xf32, #tpu.memory_space<hbm>> -> memref<4096xf32, #tpu.memory_space<hbm>>
      %dma_start3A_97 = arith.constant 0 : i32
      %dma_start3A_98 = tpu.memref_slice %arg4[%add3A_49, %dma_start3A_97] : memref<416x16384xf32, #tpu.memory_space<hbm>> -> memref<1x4096xf32, #tpu.memory_space<hbm>>
      %dma_start3A_99 = tpu.memref_squeeze %dma_start3A_98 : memref<1x4096xf32, #tpu.memory_space<hbm>> -> memref<4096xf32, #tpu.memory_space<hbm>>
      tpu.enqueue_dma source(%arg8 : memref<4096xf32, #tpu.memory_space<vmem>>) target(%dma_start3A_99 : memref<4096xf32, #tpu.memory_space<hbm>>) target_semaphore(%arg11 : memref<!tpu.dma_semaphore, #tpu.memory_space<semaphore_mem>>)
      %dma_wait3A_100 = arith.constant 4096 : i32
      %dma_wait3A_101 = tpu.memref_slice %arg3[%select_n3A_73, %dma_wait3A_100] : memref<26x16384xi32, #tpu.memory_space<hbm>> -> memref<1x4096xi32, #tpu.memory_space<hbm>>
      %dma_wait3A_102 = tpu.memref_squeeze %dma_wait3A_101 : memref<1x4096xi32, #tpu.memory_space<hbm>> -> memref<4096xi32, #tpu.memory_space<hbm>>
      %dma_wait3A_103 = arith.constant 4096 : i32
      %dma_wait3A_104 = tpu.memref_slice %arg3[%select_n3A_73, %dma_wait3A_103] : memref<26x16384xi32, #tpu.memory_space<hbm>> -> memref<1x4096xi32, #tpu.memory_space<hbm>>
      %dma_wait3A_105 = tpu.memref_squeeze %dma_wait3A_104 : memref<1x4096xi32, #tpu.memory_space<hbm>> -> memref<4096xi32, #tpu.memory_space<hbm>>
      tpu.wait_dma2 semaphore(%arg10 : memref<!tpu.dma_semaphore, #tpu.memory_space<semaphore_mem>>) src(%dma_wait3A_105 : memref<4096xi32, #tpu.memory_space<hbm>>) dst(%arg7 : memref<4096xi32, #tpu.memory_space<vmem>>)
      %dma_start3A_106 = arith.constant 8192 : i32
      %dma_start3A_107 = tpu.memref_slice %arg3[%select_n3A_73, %dma_start3A_106] : memref<26x16384xi32, #tpu.memory_space<hbm>> -> memref<1x4096xi32, #tpu.memory_space<hbm>>
      %dma_start3A_108 = tpu.memref_squeeze %dma_start3A_107 : memref<1x4096xi32, #tpu.memory_space<hbm>> -> memref<4096xi32, #tpu.memory_space<hbm>>
      %dma_start3A_109 = arith.constant 8192 : i32
      %dma_start3A_110 = tpu.memref_slice %arg3[%select_n3A_73, %dma_start3A_109] : memref<26x16384xi32, #tpu.memory_space<hbm>> -> memref<1x4096xi32, #tpu.memory_space<hbm>>
      %dma_start3A_111 = tpu.memref_squeeze %dma_start3A_110 : memref<1x4096xi32, #tpu.memory_space<hbm>> -> memref<4096xi32, #tpu.memory_space<hbm>>
      tpu.enqueue_dma source(%dma_start3A_111 : memref<4096xi32, #tpu.memory_space<hbm>>) target(%arg6 : memref<4096xi32, #tpu.memory_space<vmem>>) target_semaphore(%arg10 : memref<!tpu.dma_semaphore, #tpu.memory_space<semaphore_mem>>)
      %gt3A_112 = arith.constant 0 : i32
      %gt3A_113 = arith.cmpi sgt, %scan3A_46, %gt3A_112 : i32
      %convert_element_type3A_114 = arith.extui %gt3A_113 : i1 to i32
      %cond3A_115 = arith.constant 0 : i32
      %cond3A_116 = arith.cmpi ne, %convert_element_type3A_114, %cond3A_115 : i32
      scf.if %cond3A_116 {
        %sub3A_187 = arith.constant 1 : i32
        %sub3A_188 = arith.subi %add3A_49, %sub3A_187 : i32
        %dma_wait3A_189 = arith.constant 12288 : i32
        %dma_wait3A_190 = tpu.memref_slice %arg4[%sub3A_188, %dma_wait3A_189] : memref<416x16384xf32, #tpu.memory_space<hbm>> -> memref<1x4096xf32, #tpu.memory_space<hbm>>
        %dma_wait3A_191 = tpu.memref_squeeze %dma_wait3A_190 : memref<1x4096xf32, #tpu.memory_space<hbm>> -> memref<4096xf32, #tpu.memory_space<hbm>>
        %dma_wait3A_192 = arith.constant 12288 : i32
        %dma_wait3A_193 = tpu.memref_slice %arg4[%sub3A_188, %dma_wait3A_192] : memref<416x16384xf32, #tpu.memory_space<hbm>> -> memref<1x4096xf32, #tpu.memory_space<hbm>>
        %dma_wait3A_194 = tpu.memref_squeeze %dma_wait3A_193 : memref<1x4096xf32, #tpu.memory_space<hbm>> -> memref<4096xf32, #tpu.memory_space<hbm>>
        tpu.wait_dma2 semaphore(%arg11 : memref<!tpu.dma_semaphore, #tpu.memory_space<semaphore_mem>>) src(%arg9 : memref<4096xf32, #tpu.memory_space<vmem>>) dst(%dma_wait3A_194 : memref<4096xf32, #tpu.memory_space<hbm>>)
      } else {
      }
      %scan3A_117 = arith.constant 0 : i32
      %scan3A_118 = arith.constant 0 : i32
      %scan3A_119 = arith.constant 16 : i32
      %scan3A_120 = arith.addi %scan3A_118, %scan3A_119 : i32
      %scan3A_121 = arith.constant 1 : i32
      scf.for %scan3A_187 = %scan3A_118 to %scan3A_120 step %scan3A_121  : i32 {
        %mul3A_188 = arith.constant 256 : i32
        %mul3A_189 = arith.muli %scan3A_187, %mul3A_188 : i32
        %add3A_190 = arith.constant 0 : i32
        %add3A_191 = arith.addi %mul3A_189, %add3A_190 : i32
        %get3A = arith.index_cast %add3A_191 : i32 to index
        %get3A_192 = tpu.vector_load %arg7[%get3A] {strides = array<i32>} : memref<4096xi32, #tpu.memory_space<vmem>>, vector<16xi32>,
        %gather3A = tpu.vector_load_idx %arg5[%get3A_192] : memref<100000xf32, #tpu.memory_space<vmem>>[vector<16xi32>], vector<16xf32>,
        %swap3A = arith.index_cast %add3A_191 : i32 to index
        %swap3A_193 = tpu.vector_load %arg9[%swap3A] {strides = array<i32>} : memref<4096xf32, #tpu.memory_space<vmem>>, vector<16xf32>,
        tpu.vector_store %arg9[%swap3A], %gather3A {strides = array<i32>} : memref<4096xf32, #tpu.memory_space<vmem>>, vector<16xf32>,
        %add3A_194 = arith.constant 16 : i32
        %add3A_195 = arith.addi %mul3A_189, %add3A_194 : i32
        %get3A_196 = arith.index_cast %add3A_195 : i32 to index
        %get3A_197 = tpu.vector_load %arg7[%get3A_196] {strides = array<i32>} : memref<4096xi32, #tpu.memory_space<vmem>>, vector<16xi32>,
        %gather3A_198 = tpu.vector_load_idx %arg5[%get3A_197] : memref<100000xf32, #tpu.memory_space<vmem>>[vector<16xi32>], vector<16xf32>,
        %swap3A_199 = arith.index_cast %add3A_195 : i32 to index
        %swap3A_200 = tpu.vector_load %arg9[%swap3A_199] {strides = array<i32>} : memref<4096xf32, #tpu.memory_space<vmem>>, vector<16xf32>,
        tpu.vector_store %arg9[%swap3A_199], %gather3A_198 {strides = array<i32>} : memref<4096xf32, #tpu.memory_space<vmem>>, vector<16xf32>,
        %add3A_201 = arith.constant 32 : i32
        %add3A_202 = arith.addi %mul3A_189, %add3A_201 : i32
        %get3A_203 = arith.index_cast %add3A_202 : i32 to index
        %get3A_204 = tpu.vector_load %arg7[%get3A_203] {strides = array<i32>} : memref<4096xi32, #tpu.memory_space<vmem>>, vector<16xi32>,
        %gather3A_205 = tpu.vector_load_idx %arg5[%get3A_204] : memref<100000xf32, #tpu.memory_space<vmem>>[vector<16xi32>], vector<16xf32>,
        %swap3A_206 = arith.index_cast %add3A_202 : i32 to index
        %swap3A_207 = tpu.vector_load %arg9[%swap3A_206] {strides = array<i32>} : memref<4096xf32, #tpu.memory_space<vmem>>, vector<16xf32>,
        tpu.vector_store %arg9[%swap3A_206], %gather3A_205 {strides = array<i32>} : memref<4096xf32, #tpu.memory_space<vmem>>, vector<16xf32>,
        %add3A_208 = arith.constant 48 : i32
        %add3A_209 = arith.addi %mul3A_189, %add3A_208 : i32
        %get3A_210 = arith.index_cast %add3A_209 : i32 to index
        %get3A_211 = tpu.vector_load %arg7[%get3A_210] {strides = array<i32>} : memref<4096xi32, #tpu.memory_space<vmem>>, vector<16xi32>,
        %gather3A_212 = tpu.vector_load_idx %arg5[%get3A_211] : memref<100000xf32, #tpu.memory_space<vmem>>[vector<16xi32>], vector<16xf32>,
        %swap3A_213 = arith.index_cast %add3A_209 : i32 to index
        %swap3A_214 = tpu.vector_load %arg9[%swap3A_213] {strides = array<i32>} : memref<4096xf32, #tpu.memory_space<vmem>>, vector<16xf32>,
        tpu.vector_store %arg9[%swap3A_213], %gather3A_212 {strides = array<i32>} : memref<4096xf32, #tpu.memory_space<vmem>>, vector<16xf32>,
        %add3A_215 = arith.constant 64 : i32
        %add3A_216 = arith.addi %mul3A_189, %add3A_215 : i32
        %get3A_217 = arith.index_cast %add3A_216 : i32 to index
        %get3A_218 = tpu.vector_load %arg7[%get3A_217] {strides = array<i32>} : memref<4096xi32, #tpu.memory_space<vmem>>, vector<16xi32>,
        %gather3A_219 = tpu.vector_load_idx %arg5[%get3A_218] : memref<100000xf32, #tpu.memory_space<vmem>>[vector<16xi32>], vector<16xf32>,
        %swap3A_220 = arith.index_cast %add3A_216 : i32 to index
        %swap3A_221 = tpu.vector_load %arg9[%swap3A_220] {strides = array<i32>} : memref<4096xf32, #tpu.memory_space<vmem>>, vector<16xf32>,
        tpu.vector_store %arg9[%swap3A_220], %gather3A_219 {strides = array<i32>} : memref<4096xf32, #tpu.memory_space<vmem>>, vector<16xf32>,
        %add3A_222 = arith.constant 80 : i32
        %add3A_223 = arith.addi %mul3A_189, %add3A_222 : i32
        %get3A_224 = arith.index_cast %add3A_223 : i32 to index
        %get3A_225 = tpu.vector_load %arg7[%get3A_224] {strides = array<i32>} : memref<4096xi32, #tpu.memory_space<vmem>>, vector<16xi32>,
        %gather3A_226 = tpu.vector_load_idx %arg5[%get3A_225] : memref<100000xf32, #tpu.memory_space<vmem>>[vector<16xi32>], vector<16xf32>,
        %swap3A_227 = arith.index_cast %add3A_223 : i32 to index
        %swap3A_228 = tpu.vector_load %arg9[%swap3A_227] {strides = array<i32>} : memref<4096xf32, #tpu.memory_space<vmem>>, vector<16xf32>,
        tpu.vector_store %arg9[%swap3A_227], %gather3A_226 {strides = array<i32>} : memref<4096xf32, #tpu.memory_space<vmem>>, vector<16xf32>,
        %add3A_229 = arith.constant 96 : i32
        %add3A_230 = arith.addi %mul3A_189, %add3A_229 : i32
        %get3A_231 = arith.index_cast %add3A_230 : i32 to index
        %get3A_232 = tpu.vector_load %arg7[%get3A_231] {strides = array<i32>} : memref<4096xi32, #tpu.memory_space<vmem>>, vector<16xi32>,
        %gather3A_233 = tpu.vector_load_idx %arg5[%get3A_232] : memref<100000xf32, #tpu.memory_space<vmem>>[vector<16xi32>], vector<16xf32>,
        %swap3A_234 = arith.index_cast %add3A_230 : i32 to index
        %swap3A_235 = tpu.vector_load %arg9[%swap3A_234] {strides = array<i32>} : memref<4096xf32, #tpu.memory_space<vmem>>, vector<16xf32>,
        tpu.vector_store %arg9[%swap3A_234], %gather3A_233 {strides = array<i32>} : memref<4096xf32, #tpu.memory_space<vmem>>, vector<16xf32>,
        %add3A_236 = arith.constant 112 : i32
        %add3A_237 = arith.addi %mul3A_189, %add3A_236 : i32
        %get3A_238 = arith.index_cast %add3A_237 : i32 to index
        %get3A_239 = tpu.vector_load %arg7[%get3A_238] {strides = array<i32>} : memref<4096xi32, #tpu.memory_space<vmem>>, vector<16xi32>,
        %gather3A_240 = tpu.vector_load_idx %arg5[%get3A_239] : memref<100000xf32, #tpu.memory_space<vmem>>[vector<16xi32>], vector<16xf32>,
        %swap3A_241 = arith.index_cast %add3A_237 : i32 to index
        %swap3A_242 = tpu.vector_load %arg9[%swap3A_241] {strides = array<i32>} : memref<4096xf32, #tpu.memory_space<vmem>>, vector<16xf32>,
        tpu.vector_store %arg9[%swap3A_241], %gather3A_240 {strides = array<i32>} : memref<4096xf32, #tpu.memory_space<vmem>>, vector<16xf32>,
        %add3A_243 = arith.constant 128 : i32
        %add3A_244 = arith.addi %mul3A_189, %add3A_243 : i32
        %get3A_245 = arith.index_cast %add3A_244 : i32 to index
        %get3A_246 = tpu.vector_load %arg7[%get3A_245] {strides = array<i32>} : memref<4096xi32, #tpu.memory_space<vmem>>, vector<16xi32>,
        %gather3A_247 = tpu.vector_load_idx %arg5[%get3A_246] : memref<100000xf32, #tpu.memory_space<vmem>>[vector<16xi32>], vector<16xf32>,
        %swap3A_248 = arith.index_cast %add3A_244 : i32 to index
        %swap3A_249 = tpu.vector_load %arg9[%swap3A_248] {strides = array<i32>} : memref<4096xf32, #tpu.memory_space<vmem>>, vector<16xf32>,
        tpu.vector_store %arg9[%swap3A_248], %gather3A_247 {strides = array<i32>} : memref<4096xf32, #tpu.memory_space<vmem>>, vector<16xf32>,
        %add3A_250 = arith.constant 144 : i32
        %add3A_251 = arith.addi %mul3A_189, %add3A_250 : i32
        %get3A_252 = arith.index_cast %add3A_251 : i32 to index
        %get3A_253 = tpu.vector_load %arg7[%get3A_252] {strides = array<i32>} : memref<4096xi32, #tpu.memory_space<vmem>>, vector<16xi32>,
        %gather3A_254 = tpu.vector_load_idx %arg5[%get3A_253] : memref<100000xf32, #tpu.memory_space<vmem>>[vector<16xi32>], vector<16xf32>,
        %swap3A_255 = arith.index_cast %add3A_251 : i32 to index
        %swap3A_256 = tpu.vector_load %arg9[%swap3A_255] {strides = array<i32>} : memref<4096xf32, #tpu.memory_space<vmem>>, vector<16xf32>,
        tpu.vector_store %arg9[%swap3A_255], %gather3A_254 {strides = array<i32>} : memref<4096xf32, #tpu.memory_space<vmem>>, vector<16xf32>,
        %add3A_257 = arith.constant 160 : i32
        %add3A_258 = arith.addi %mul3A_189, %add3A_257 : i32
        %get3A_259 = arith.index_cast %add3A_258 : i32 to index
        %get3A_260 = tpu.vector_load %arg7[%get3A_259] {strides = array<i32>} : memref<4096xi32, #tpu.memory_space<vmem>>, vector<16xi32>,
        %gather3A_261 = tpu.vector_load_idx %arg5[%get3A_260] : memref<100000xf32, #tpu.memory_space<vmem>>[vector<16xi32>], vector<16xf32>,
        %swap3A_262 = arith.index_cast %add3A_258 : i32 to index
        %swap3A_263 = tpu.vector_load %arg9[%swap3A_262] {strides = array<i32>} : memref<4096xf32, #tpu.memory_space<vmem>>, vector<16xf32>,
        tpu.vector_store %arg9[%swap3A_262], %gather3A_261 {strides = array<i32>} : memref<4096xf32, #tpu.memory_space<vmem>>, vector<16xf32>,
        %add3A_264 = arith.constant 176 : i32
        %add3A_265 = arith.addi %mul3A_189, %add3A_264 : i32
        %get3A_266 = arith.index_cast %add3A_265 : i32 to index
        %get3A_267 = tpu.vector_load %arg7[%get3A_266] {strides = array<i32>} : memref<4096xi32, #tpu.memory_space<vmem>>, vector<16xi32>,
        %gather3A_268 = tpu.vector_load_idx %arg5[%get3A_267] : memref<100000xf32, #tpu.memory_space<vmem>>[vector<16xi32>], vector<16xf32>,
        %swap3A_269 = arith.index_cast %add3A_265 : i32 to index
        %swap3A_270 = tpu.vector_load %arg9[%swap3A_269] {strides = array<i32>} : memref<4096xf32, #tpu.memory_space<vmem>>, vector<16xf32>,
        tpu.vector_store %arg9[%swap3A_269], %gather3A_268 {strides = array<i32>} : memref<4096xf32, #tpu.memory_space<vmem>>, vector<16xf32>,
        %add3A_271 = arith.constant 192 : i32
        %add3A_272 = arith.addi %mul3A_189, %add3A_271 : i32
        %get3A_273 = arith.index_cast %add3A_272 : i32 to index
        %get3A_274 = tpu.vector_load %arg7[%get3A_273] {strides = array<i32>} : memref<4096xi32, #tpu.memory_space<vmem>>, vector<16xi32>,
        %gather3A_275 = tpu.vector_load_idx %arg5[%get3A_274] : memref<100000xf32, #tpu.memory_space<vmem>>[vector<16xi32>], vector<16xf32>,
        %swap3A_276 = arith.index_cast %add3A_272 : i32 to index
        %swap3A_277 = tpu.vector_load %arg9[%swap3A_276] {strides = array<i32>} : memref<4096xf32, #tpu.memory_space<vmem>>, vector<16xf32>,
        tpu.vector_store %arg9[%swap3A_276], %gather3A_275 {strides = array<i32>} : memref<4096xf32, #tpu.memory_space<vmem>>, vector<16xf32>,
        %add3A_278 = arith.constant 208 : i32
        %add3A_279 = arith.addi %mul3A_189, %add3A_278 : i32
        %get3A_280 = arith.index_cast %add3A_279 : i32 to index
        %get3A_281 = tpu.vector_load %arg7[%get3A_280] {strides = array<i32>} : memref<4096xi32, #tpu.memory_space<vmem>>, vector<16xi32>,
        %gather3A_282 = tpu.vector_load_idx %arg5[%get3A_281] : memref<100000xf32, #tpu.memory_space<vmem>>[vector<16xi32>], vector<16xf32>,
        %swap3A_283 = arith.index_cast %add3A_279 : i32 to index
        %swap3A_284 = tpu.vector_load %arg9[%swap3A_283] {strides = array<i32>} : memref<4096xf32, #tpu.memory_space<vmem>>, vector<16xf32>,
        tpu.vector_store %arg9[%swap3A_283], %gather3A_282 {strides = array<i32>} : memref<4096xf32, #tpu.memory_space<vmem>>, vector<16xf32>,
        %add3A_285 = arith.constant 224 : i32
        %add3A_286 = arith.addi %mul3A_189, %add3A_285 : i32
        %get3A_287 = arith.index_cast %add3A_286 : i32 to index
        %get3A_288 = tpu.vector_load %arg7[%get3A_287] {strides = array<i32>} : memref<4096xi32, #tpu.memory_space<vmem>>, vector<16xi32>,
        %gather3A_289 = tpu.vector_load_idx %arg5[%get3A_288] : memref<100000xf32, #tpu.memory_space<vmem>>[vector<16xi32>], vector<16xf32>,
        %swap3A_290 = arith.index_cast %add3A_286 : i32 to index
        %swap3A_291 = tpu.vector_load %arg9[%swap3A_290] {strides = array<i32>} : memref<4096xf32, #tpu.memory_space<vmem>>, vector<16xf32>,
        tpu.vector_store %arg9[%swap3A_290], %gather3A_289 {strides = array<i32>} : memref<4096xf32, #tpu.memory_space<vmem>>, vector<16xf32>,
        %add3A_292 = arith.constant 240 : i32
        %add3A_293 = arith.addi %mul3A_189, %add3A_292 : i32
        %get3A_294 = arith.index_cast %add3A_293 : i32 to index
        %get3A_295 = tpu.vector_load %arg7[%get3A_294] {strides = array<i32>} : memref<4096xi32, #tpu.memory_space<vmem>>, vector<16xi32>,
        %gather3A_296 = tpu.vector_load_idx %arg5[%get3A_295] : memref<100000xf32, #tpu.memory_space<vmem>>[vector<16xi32>], vector<16xf32>,
        %swap3A_297 = arith.index_cast %add3A_293 : i32 to index
        %swap3A_298 = tpu.vector_load %arg9[%swap3A_297] {strides = array<i32>} : memref<4096xf32, #tpu.memory_space<vmem>>, vector<16xf32>,
        tpu.vector_store %arg9[%swap3A_297], %gather3A_296 {strides = array<i32>} : memref<4096xf32, #tpu.memory_space<vmem>>, vector<16xf32>,
      }
      %scan3A_122 = arith.constant 16 : i32
      %dma_start3A_123 = arith.constant 4096 : i32
      %dma_start3A_124 = tpu.memref_slice %arg4[%add3A_49, %dma_start3A_123] : memref<416x16384xf32, #tpu.memory_space<hbm>> -> memref<1x4096xf32, #tpu.memory_space<hbm>>
      %dma_start3A_125 = tpu.memref_squeeze %dma_start3A_124 : memref<1x4096xf32, #tpu.memory_space<hbm>> -> memref<4096xf32, #tpu.memory_space<hbm>>
      %dma_start3A_126 = arith.constant 4096 : i32
      %dma_start3A_127 = tpu.memref_slice %arg4[%add3A_49, %dma_start3A_126] : memref<416x16384xf32, #tpu.memory_space<hbm>> -> memref<1x4096xf32, #tpu.memory_space<hbm>>
      %dma_start3A_128 = tpu.memref_squeeze %dma_start3A_127 : memref<1x4096xf32, #tpu.memory_space<hbm>> -> memref<4096xf32, #tpu.memory_space<hbm>>
      tpu.enqueue_dma source(%arg9 : memref<4096xf32, #tpu.memory_space<vmem>>) target(%dma_start3A_128 : memref<4096xf32, #tpu.memory_space<hbm>>) target_semaphore(%arg11 : memref<!tpu.dma_semaphore, #tpu.memory_space<semaphore_mem>>)
      %dma_wait3A_129 = arith.constant 8192 : i32
      %dma_wait3A_130 = tpu.memref_slice %arg3[%select_n3A_73, %dma_wait3A_129] : memref<26x16384xi32, #tpu.memory_space<hbm>> -> memref<1x4096xi32, #tpu.memory_space<hbm>>
      %dma_wait3A_131 = tpu.memref_squeeze %dma_wait3A_130 : memref<1x4096xi32, #tpu.memory_space<hbm>> -> memref<4096xi32, #tpu.memory_space<hbm>>
      %dma_wait3A_132 = arith.constant 8192 : i32
      %dma_wait3A_133 = tpu.memref_slice %arg3[%select_n3A_73, %dma_wait3A_132] : memref<26x16384xi32, #tpu.memory_space<hbm>> -> memref<1x4096xi32, #tpu.memory_space<hbm>>
      %dma_wait3A_134 = tpu.memref_squeeze %dma_wait3A_133 : memref<1x4096xi32, #tpu.memory_space<hbm>> -> memref<4096xi32, #tpu.memory_space<hbm>>
      tpu.wait_dma2 semaphore(%arg10 : memref<!tpu.dma_semaphore, #tpu.memory_space<semaphore_mem>>) src(%dma_wait3A_134 : memref<4096xi32, #tpu.memory_space<hbm>>) dst(%arg6 : memref<4096xi32, #tpu.memory_space<vmem>>)
      %dma_start3A_135 = arith.constant 12288 : i32
      %dma_start3A_136 = tpu.memref_slice %arg3[%select_n3A_73, %dma_start3A_135] : memref<26x16384xi32, #tpu.memory_space<hbm>> -> memref<1x4096xi32, #tpu.memory_space<hbm>>
      %dma_start3A_137 = tpu.memref_squeeze %dma_start3A_136 : memref<1x4096xi32, #tpu.memory_space<hbm>> -> memref<4096xi32, #tpu.memory_space<hbm>>
      %dma_start3A_138 = arith.constant 12288 : i32
      %dma_start3A_139 = tpu.memref_slice %arg3[%select_n3A_73, %dma_start3A_138] : memref<26x16384xi32, #tpu.memory_space<hbm>> -> memref<1x4096xi32, #tpu.memory_space<hbm>>
      %dma_start3A_140 = tpu.memref_squeeze %dma_start3A_139 : memref<1x4096xi32, #tpu.memory_space<hbm>> -> memref<4096xi32, #tpu.memory_space<hbm>>
      tpu.enqueue_dma source(%dma_start3A_140 : memref<4096xi32, #tpu.memory_space<hbm>>) target(%arg7 : memref<4096xi32, #tpu.memory_space<vmem>>) target_semaphore(%arg10 : memref<!tpu.dma_semaphore, #tpu.memory_space<semaphore_mem>>)
      %dma_wait3A_141 = arith.constant 0 : i32
      %dma_wait3A_142 = tpu.memref_slice %arg4[%add3A_49, %dma_wait3A_141] : memref<416x16384xf32, #tpu.memory_space<hbm>> -> memref<1x4096xf32, #tpu.memory_space<hbm>>
      %dma_wait3A_143 = tpu.memref_squeeze %dma_wait3A_142 : memref<1x4096xf32, #tpu.memory_space<hbm>> -> memref<4096xf32, #tpu.memory_space<hbm>>
      %dma_wait3A_144 = arith.constant 0 : i32
      %dma_wait3A_145 = tpu.memref_slice %arg4[%add3A_49, %dma_wait3A_144] : memref<416x16384xf32, #tpu.memory_space<hbm>> -> memref<1x4096xf32, #tpu.memory_space<hbm>>
      %dma_wait3A_146 = tpu.memref_squeeze %dma_wait3A_145 : memref<1x4096xf32, #tpu.memory_space<hbm>> -> memref<4096xf32, #tpu.memory_space<hbm>>
      tpu.wait_dma2 semaphore(%arg11 : memref<!tpu.dma_semaphore, #tpu.memory_space<semaphore_mem>>) src(%arg8 : memref<4096xf32, #tpu.memory_space<vmem>>) dst(%dma_wait3A_146 : memref<4096xf32, #tpu.memory_space<hbm>>)
      %scan3A_147 = arith.constant 0 : i32
      %scan3A_148 = arith.constant 0 : i32
      %scan3A_149 = arith.constant 16 : i32
      %scan3A_150 = arith.addi %scan3A_148, %scan3A_149 : i32
      %scan3A_151 = arith.constant 1 : i32
      scf.for %scan3A_187 = %scan3A_148 to %scan3A_150 step %scan3A_151  : i32 {
        %mul3A_188 = arith.constant 256 : i32
        %mul3A_189 = arith.muli %scan3A_187, %mul3A_188 : i32
        %add3A_190 = arith.constant 0 : i32
        %add3A_191 = arith.addi %mul3A_189, %add3A_190 : i32
        %get3A = arith.index_cast %add3A_191 : i32 to index
        %get3A_192 = tpu.vector_load %arg6[%get3A] {strides = array<i32>} : memref<4096xi32, #tpu.memory_space<vmem>>, vector<16xi32>,
        %gather3A = tpu.vector_load_idx %arg5[%get3A_192] : memref<100000xf32, #tpu.memory_space<vmem>>[vector<16xi32>], vector<16xf32>,
        %swap3A = arith.index_cast %add3A_191 : i32 to index
        %swap3A_193 = tpu.vector_load %arg8[%swap3A] {strides = array<i32>} : memref<4096xf32, #tpu.memory_space<vmem>>, vector<16xf32>,
        tpu.vector_store %arg8[%swap3A], %gather3A {strides = array<i32>} : memref<4096xf32, #tpu.memory_space<vmem>>, vector<16xf32>,
        %add3A_194 = arith.constant 16 : i32
        %add3A_195 = arith.addi %mul3A_189, %add3A_194 : i32
        %get3A_196 = arith.index_cast %add3A_195 : i32 to index
        %get3A_197 = tpu.vector_load %arg6[%get3A_196] {strides = array<i32>} : memref<4096xi32, #tpu.memory_space<vmem>>, vector<16xi32>,
        %gather3A_198 = tpu.vector_load_idx %arg5[%get3A_197] : memref<100000xf32, #tpu.memory_space<vmem>>[vector<16xi32>], vector<16xf32>,
        %swap3A_199 = arith.index_cast %add3A_195 : i32 to index
        %swap3A_200 = tpu.vector_load %arg8[%swap3A_199] {strides = array<i32>} : memref<4096xf32, #tpu.memory_space<vmem>>, vector<16xf32>,
        tpu.vector_store %arg8[%swap3A_199], %gather3A_198 {strides = array<i32>} : memref<4096xf32, #tpu.memory_space<vmem>>, vector<16xf32>,
        %add3A_201 = arith.constant 32 : i32
        %add3A_202 = arith.addi %mul3A_189, %add3A_201 : i32
        %get3A_203 = arith.index_cast %add3A_202 : i32 to index
        %get3A_204 = tpu.vector_load %arg6[%get3A_203] {strides = array<i32>} : memref<4096xi32, #tpu.memory_space<vmem>>, vector<16xi32>,
        %gather3A_205 = tpu.vector_load_idx %arg5[%get3A_204] : memref<100000xf32, #tpu.memory_space<vmem>>[vector<16xi32>], vector<16xf32>,
        %swap3A_206 = arith.index_cast %add3A_202 : i32 to index
        %swap3A_207 = tpu.vector_load %arg8[%swap3A_206] {strides = array<i32>} : memref<4096xf32, #tpu.memory_space<vmem>>, vector<16xf32>,
        tpu.vector_store %arg8[%swap3A_206], %gather3A_205 {strides = array<i32>} : memref<4096xf32, #tpu.memory_space<vmem>>, vector<16xf32>,
        %add3A_208 = arith.constant 48 : i32
        %add3A_209 = arith.addi %mul3A_189, %add3A_208 : i32
        %get3A_210 = arith.index_cast %add3A_209 : i32 to index
        %get3A_211 = tpu.vector_load %arg6[%get3A_210] {strides = array<i32>} : memref<4096xi32, #tpu.memory_space<vmem>>, vector<16xi32>,
        %gather3A_212 = tpu.vector_load_idx %arg5[%get3A_211] : memref<100000xf32, #tpu.memory_space<vmem>>[vector<16xi32>], vector<16xf32>,
        %swap3A_213 = arith.index_cast %add3A_209 : i32 to index
        %swap3A_214 = tpu.vector_load %arg8[%swap3A_213] {strides = array<i32>} : memref<4096xf32, #tpu.memory_space<vmem>>, vector<16xf32>,
        tpu.vector_store %arg8[%swap3A_213], %gather3A_212 {strides = array<i32>} : memref<4096xf32, #tpu.memory_space<vmem>>, vector<16xf32>,
        %add3A_215 = arith.constant 64 : i32
        %add3A_216 = arith.addi %mul3A_189, %add3A_215 : i32
        %get3A_217 = arith.index_cast %add3A_216 : i32 to index
        %get3A_218 = tpu.vector_load %arg6[%get3A_217] {strides = array<i32>} : memref<4096xi32, #tpu.memory_space<vmem>>, vector<16xi32>,
        %gather3A_219 = tpu.vector_load_idx %arg5[%get3A_218] : memref<100000xf32, #tpu.memory_space<vmem>>[vector<16xi32>], vector<16xf32>,
        %swap3A_220 = arith.index_cast %add3A_216 : i32 to index
        %swap3A_221 = tpu.vector_load %arg8[%swap3A_220] {strides = array<i32>} : memref<4096xf32, #tpu.memory_space<vmem>>, vector<16xf32>,
        tpu.vector_store %arg8[%swap3A_220], %gather3A_219 {strides = array<i32>} : memref<4096xf32, #tpu.memory_space<vmem>>, vector<16xf32>,
        %add3A_222 = arith.constant 80 : i32
        %add3A_223 = arith.addi %mul3A_189, %add3A_222 : i32
        %get3A_224 = arith.index_cast %add3A_223 : i32 to index
        %get3A_225 = tpu.vector_load %arg6[%get3A_224] {strides = array<i32>} : memref<4096xi32, #tpu.memory_space<vmem>>, vector<16xi32>,
        %gather3A_226 = tpu.vector_load_idx %arg5[%get3A_225] : memref<100000xf32, #tpu.memory_space<vmem>>[vector<16xi32>], vector<16xf32>,
        %swap3A_227 = arith.index_cast %add3A_223 : i32 to index
        %swap3A_228 = tpu.vector_load %arg8[%swap3A_227] {strides = array<i32>} : memref<4096xf32, #tpu.memory_space<vmem>>, vector<16xf32>,
        tpu.vector_store %arg8[%swap3A_227], %gather3A_226 {strides = array<i32>} : memref<4096xf32, #tpu.memory_space<vmem>>, vector<16xf32>,
        %add3A_229 = arith.constant 96 : i32
        %add3A_230 = arith.addi %mul3A_189, %add3A_229 : i32
        %get3A_231 = arith.index_cast %add3A_230 : i32 to index
        %get3A_232 = tpu.vector_load %arg6[%get3A_231] {strides = array<i32>} : memref<4096xi32, #tpu.memory_space<vmem>>, vector<16xi32>,
        %gather3A_233 = tpu.vector_load_idx %arg5[%get3A_232] : memref<100000xf32, #tpu.memory_space<vmem>>[vector<16xi32>], vector<16xf32>,
        %swap3A_234 = arith.index_cast %add3A_230 : i32 to index
        %swap3A_235 = tpu.vector_load %arg8[%swap3A_234] {strides = array<i32>} : memref<4096xf32, #tpu.memory_space<vmem>>, vector<16xf32>,
        tpu.vector_store %arg8[%swap3A_234], %gather3A_233 {strides = array<i32>} : memref<4096xf32, #tpu.memory_space<vmem>>, vector<16xf32>,
        %add3A_236 = arith.constant 112 : i32
        %add3A_237 = arith.addi %mul3A_189, %add3A_236 : i32
        %get3A_238 = arith.index_cast %add3A_237 : i32 to index
        %get3A_239 = tpu.vector_load %arg6[%get3A_238] {strides = array<i32>} : memref<4096xi32, #tpu.memory_space<vmem>>, vector<16xi32>,
        %gather3A_240 = tpu.vector_load_idx %arg5[%get3A_239] : memref<100000xf32, #tpu.memory_space<vmem>>[vector<16xi32>], vector<16xf32>,
        %swap3A_241 = arith.index_cast %add3A_237 : i32 to index
        %swap3A_242 = tpu.vector_load %arg8[%swap3A_241] {strides = array<i32>} : memref<4096xf32, #tpu.memory_space<vmem>>, vector<16xf32>,
        tpu.vector_store %arg8[%swap3A_241], %gather3A_240 {strides = array<i32>} : memref<4096xf32, #tpu.memory_space<vmem>>, vector<16xf32>,
        %add3A_243 = arith.constant 128 : i32
        %add3A_244 = arith.addi %mul3A_189, %add3A_243 : i32
        %get3A_245 = arith.index_cast %add3A_244 : i32 to index
        %get3A_246 = tpu.vector_load %arg6[%get3A_245] {strides = array<i32>} : memref<4096xi32, #tpu.memory_space<vmem>>, vector<16xi32>,
        %gather3A_247 = tpu.vector_load_idx %arg5[%get3A_246] : memref<100000xf32, #tpu.memory_space<vmem>>[vector<16xi32>], vector<16xf32>,
        %swap3A_248 = arith.index_cast %add3A_244 : i32 to index
        %swap3A_249 = tpu.vector_load %arg8[%swap3A_248] {strides = array<i32>} : memref<4096xf32, #tpu.memory_space<vmem>>, vector<16xf32>,
        tpu.vector_store %arg8[%swap3A_248], %gather3A_247 {strides = array<i32>} : memref<4096xf32, #tpu.memory_space<vmem>>, vector<16xf32>,
        %add3A_250 = arith.constant 144 : i32
        %add3A_251 = arith.addi %mul3A_189, %add3A_250 : i32
        %get3A_252 = arith.index_cast %add3A_251 : i32 to index
        %get3A_253 = tpu.vector_load %arg6[%get3A_252] {strides = array<i32>} : memref<4096xi32, #tpu.memory_space<vmem>>, vector<16xi32>,
        %gather3A_254 = tpu.vector_load_idx %arg5[%get3A_253] : memref<100000xf32, #tpu.memory_space<vmem>>[vector<16xi32>], vector<16xf32>,
        %swap3A_255 = arith.index_cast %add3A_251 : i32 to index
        %swap3A_256 = tpu.vector_load %arg8[%swap3A_255] {strides = array<i32>} : memref<4096xf32, #tpu.memory_space<vmem>>, vector<16xf32>,
        tpu.vector_store %arg8[%swap3A_255], %gather3A_254 {strides = array<i32>} : memref<4096xf32, #tpu.memory_space<vmem>>, vector<16xf32>,
        %add3A_257 = arith.constant 160 : i32
        %add3A_258 = arith.addi %mul3A_189, %add3A_257 : i32
        %get3A_259 = arith.index_cast %add3A_258 : i32 to index
        %get3A_260 = tpu.vector_load %arg6[%get3A_259] {strides = array<i32>} : memref<4096xi32, #tpu.memory_space<vmem>>, vector<16xi32>,
        %gather3A_261 = tpu.vector_load_idx %arg5[%get3A_260] : memref<100000xf32, #tpu.memory_space<vmem>>[vector<16xi32>], vector<16xf32>,
        %swap3A_262 = arith.index_cast %add3A_258 : i32 to index
        %swap3A_263 = tpu.vector_load %arg8[%swap3A_262] {strides = array<i32>} : memref<4096xf32, #tpu.memory_space<vmem>>, vector<16xf32>,
        tpu.vector_store %arg8[%swap3A_262], %gather3A_261 {strides = array<i32>} : memref<4096xf32, #tpu.memory_space<vmem>>, vector<16xf32>,
        %add3A_264 = arith.constant 176 : i32
        %add3A_265 = arith.addi %mul3A_189, %add3A_264 : i32
        %get3A_266 = arith.index_cast %add3A_265 : i32 to index
        %get3A_267 = tpu.vector_load %arg6[%get3A_266] {strides = array<i32>} : memref<4096xi32, #tpu.memory_space<vmem>>, vector<16xi32>,
        %gather3A_268 = tpu.vector_load_idx %arg5[%get3A_267] : memref<100000xf32, #tpu.memory_space<vmem>>[vector<16xi32>], vector<16xf32>,
        %swap3A_269 = arith.index_cast %add3A_265 : i32 to index
        %swap3A_270 = tpu.vector_load %arg8[%swap3A_269] {strides = array<i32>} : memref<4096xf32, #tpu.memory_space<vmem>>, vector<16xf32>,
        tpu.vector_store %arg8[%swap3A_269], %gather3A_268 {strides = array<i32>} : memref<4096xf32, #tpu.memory_space<vmem>>, vector<16xf32>,
        %add3A_271 = arith.constant 192 : i32
        %add3A_272 = arith.addi %mul3A_189, %add3A_271 : i32
        %get3A_273 = arith.index_cast %add3A_272 : i32 to index
        %get3A_274 = tpu.vector_load %arg6[%get3A_273] {strides = array<i32>} : memref<4096xi32, #tpu.memory_space<vmem>>, vector<16xi32>,
        %gather3A_275 = tpu.vector_load_idx %arg5[%get3A_274] : memref<100000xf32, #tpu.memory_space<vmem>>[vector<16xi32>], vector<16xf32>,
        %swap3A_276 = arith.index_cast %add3A_272 : i32 to index
        %swap3A_277 = tpu.vector_load %arg8[%swap3A_276] {strides = array<i32>} : memref<4096xf32, #tpu.memory_space<vmem>>, vector<16xf32>,
        tpu.vector_store %arg8[%swap3A_276], %gather3A_275 {strides = array<i32>} : memref<4096xf32, #tpu.memory_space<vmem>>, vector<16xf32>,
        %add3A_278 = arith.constant 208 : i32
        %add3A_279 = arith.addi %mul3A_189, %add3A_278 : i32
        %get3A_280 = arith.index_cast %add3A_279 : i32 to index
        %get3A_281 = tpu.vector_load %arg6[%get3A_280] {strides = array<i32>} : memref<4096xi32, #tpu.memory_space<vmem>>, vector<16xi32>,
        %gather3A_282 = tpu.vector_load_idx %arg5[%get3A_281] : memref<100000xf32, #tpu.memory_space<vmem>>[vector<16xi32>], vector<16xf32>,
        %swap3A_283 = arith.index_cast %add3A_279 : i32 to index
        %swap3A_284 = tpu.vector_load %arg8[%swap3A_283] {strides = array<i32>} : memref<4096xf32, #tpu.memory_space<vmem>>, vector<16xf32>,
        tpu.vector_store %arg8[%swap3A_283], %gather3A_282 {strides = array<i32>} : memref<4096xf32, #tpu.memory_space<vmem>>, vector<16xf32>,
        %add3A_285 = arith.constant 224 : i32
        %add3A_286 = arith.addi %mul3A_189, %add3A_285 : i32
        %get3A_287 = arith.index_cast %add3A_286 : i32 to index
        %get3A_288 = tpu.vector_load %arg6[%get3A_287] {strides = array<i32>} : memref<4096xi32, #tpu.memory_space<vmem>>, vector<16xi32>,
        %gather3A_289 = tpu.vector_load_idx %arg5[%get3A_288] : memref<100000xf32, #tpu.memory_space<vmem>>[vector<16xi32>], vector<16xf32>,
        %swap3A_290 = arith.index_cast %add3A_286 : i32 to index
        %swap3A_291 = tpu.vector_load %arg8[%swap3A_290] {strides = array<i32>} : memref<4096xf32, #tpu.memory_space<vmem>>, vector<16xf32>,
        tpu.vector_store %arg8[%swap3A_290], %gather3A_289 {strides = array<i32>} : memref<4096xf32, #tpu.memory_space<vmem>>, vector<16xf32>,
        %add3A_292 = arith.constant 240 : i32
        %add3A_293 = arith.addi %mul3A_189, %add3A_292 : i32
        %get3A_294 = arith.index_cast %add3A_293 : i32 to index
        %get3A_295 = tpu.vector_load %arg6[%get3A_294] {strides = array<i32>} : memref<4096xi32, #tpu.memory_space<vmem>>, vector<16xi32>,
        %gather3A_296 = tpu.vector_load_idx %arg5[%get3A_295] : memref<100000xf32, #tpu.memory_space<vmem>>[vector<16xi32>], vector<16xf32>,
        %swap3A_297 = arith.index_cast %add3A_293 : i32 to index
        %swap3A_298 = tpu.vector_load %arg8[%swap3A_297] {strides = array<i32>} : memref<4096xf32, #tpu.memory_space<vmem>>, vector<16xf32>,
        tpu.vector_store %arg8[%swap3A_297], %gather3A_296 {strides = array<i32>} : memref<4096xf32, #tpu.memory_space<vmem>>, vector<16xf32>,
      }
      %scan3A_152 = arith.constant 16 : i32
      %dma_start3A_153 = arith.constant 8192 : i32
      %dma_start3A_154 = tpu.memref_slice %arg4[%add3A_49, %dma_start3A_153] : memref<416x16384xf32, #tpu.memory_space<hbm>> -> memref<1x4096xf32, #tpu.memory_space<hbm>>
      %dma_start3A_155 = tpu.memref_squeeze %dma_start3A_154 : memref<1x4096xf32, #tpu.memory_space<hbm>> -> memref<4096xf32, #tpu.memory_space<hbm>>
      %dma_start3A_156 = arith.constant 8192 : i32
      %dma_start3A_157 = tpu.memref_slice %arg4[%add3A_49, %dma_start3A_156] : memref<416x16384xf32, #tpu.memory_space<hbm>> -> memref<1x4096xf32, #tpu.memory_space<hbm>>
      %dma_start3A_158 = tpu.memref_squeeze %dma_start3A_157 : memref<1x4096xf32, #tpu.memory_space<hbm>> -> memref<4096xf32, #tpu.memory_space<hbm>>
      tpu.enqueue_dma source(%arg8 : memref<4096xf32, #tpu.memory_space<vmem>>) target(%dma_start3A_158 : memref<4096xf32, #tpu.memory_space<hbm>>) target_semaphore(%arg11 : memref<!tpu.dma_semaphore, #tpu.memory_space<semaphore_mem>>)
      %dma_wait3A_159 = arith.constant 12288 : i32
      %dma_wait3A_160 = tpu.memref_slice %arg3[%select_n3A_73, %dma_wait3A_159] : memref<26x16384xi32, #tpu.memory_space<hbm>> -> memref<1x4096xi32, #tpu.memory_space<hbm>>
      %dma_wait3A_161 = tpu.memref_squeeze %dma_wait3A_160 : memref<1x4096xi32, #tpu.memory_space<hbm>> -> memref<4096xi32, #tpu.memory_space<hbm>>
      %dma_wait3A_162 = arith.constant 12288 : i32
      %dma_wait3A_163 = tpu.memref_slice %arg3[%select_n3A_73, %dma_wait3A_162] : memref<26x16384xi32, #tpu.memory_space<hbm>> -> memref<1x4096xi32, #tpu.memory_space<hbm>>
      %dma_wait3A_164 = tpu.memref_squeeze %dma_wait3A_163 : memref<1x4096xi32, #tpu.memory_space<hbm>> -> memref<4096xi32, #tpu.memory_space<hbm>>
      tpu.wait_dma2 semaphore(%arg10 : memref<!tpu.dma_semaphore, #tpu.memory_space<semaphore_mem>>) src(%dma_wait3A_164 : memref<4096xi32, #tpu.memory_space<hbm>>) dst(%arg7 : memref<4096xi32, #tpu.memory_space<vmem>>)
      %lt3A = arith.constant 12 : i32
      %lt3A_165 = arith.cmpi slt, %scan3A_46, %lt3A : i32
      %convert_element_type3A_166 = arith.extui %lt3A_165 : i1 to i32
      %cond3A_167 = arith.constant 0 : i32
      %cond3A_168 = arith.cmpi ne, %convert_element_type3A_166, %cond3A_167 : i32
      scf.if %cond3A_168 {
        %add3A_187 = arith.constant 1 : i32
        %add3A_188 = arith.addi %add3A_49, %add3A_187 : i32
        %jit3A_189 = arith.constant 16 : i32
        %div3A_190 = arith.divsi %add3A_188, %jit3A_189 : i32
        %sign3A_191 = arith.constant 0 : i32
        %sign3A_192 = arith.cmpi sgt, %add3A_188, %sign3A_191 : i32
        %sign3A_193 = arith.extui %sign3A_192 : i1 to i32
        %sign3A_194 = arith.constant 0 : i32
        %sign3A_195 = arith.cmpi slt, %add3A_188, %sign3A_194 : i32
        %sign3A_196 = arith.extui %sign3A_195 : i1 to i32
        %sign3A_197 = arith.subi %sign3A_193, %sign3A_196 : i32
        %sign3A_198 = arith.constant 0 : i32
        %sign3A_199 = arith.cmpi sgt, %jit3A_189, %sign3A_198 : i32
        %sign3A_200 = arith.extui %sign3A_199 : i1 to i32
        %sign3A_201 = arith.constant 0 : i32
        %sign3A_202 = arith.cmpi slt, %jit3A_189, %sign3A_201 : i32
        %sign3A_203 = arith.extui %sign3A_202 : i1 to i32
        %sign3A_204 = arith.subi %sign3A_200, %sign3A_203 : i32
        %ne3A_205 = arith.cmpi ne, %sign3A_197, %sign3A_204 : i32
        %rem3A_206 = arith.remsi %add3A_188, %jit3A_189 : i32
        %ne3A_207 = arith.constant 0 : i32
        %ne3A_208 = arith.cmpi ne, %rem3A_206, %ne3A_207 : i32
        %and3A_209 = arith.andi %ne3A_205, %ne3A_208 : i1
        %sub3A_210 = arith.constant 1 : i32
        %sub3A_211 = arith.subi %div3A_190, %sub3A_210 : i32
        %select_n3A_212 = arith.select %and3A_209, %sub3A_211, %div3A_190 : i32
        %dma_start3A_213 = arith.constant 0 : i32
        %dma_start3A_214 = tpu.memref_slice %arg3[%select_n3A_212, %dma_start3A_213] : memref<26x16384xi32, #tpu.memory_space<hbm>> -> memref<1x4096xi32, #tpu.memory_space<hbm>>
        %dma_start3A_215 = tpu.memref_squeeze %dma_start3A_214 : memref<1x4096xi32, #tpu.memory_space<hbm>> -> memref<4096xi32, #tpu.memory_space<hbm>>
        %dma_start3A_216 = arith.constant 0 : i32
        %dma_start3A_217 = tpu.memref_slice %arg3[%select_n3A_212, %dma_start3A_216] : memref<26x16384xi32, #tpu.memory_space<hbm>> -> memref<1x4096xi32, #tpu.memory_space<hbm>>
        %dma_start3A_218 = tpu.memref_squeeze %dma_start3A_217 : memref<1x4096xi32, #tpu.memory_space<hbm>> -> memref<4096xi32, #tpu.memory_space<hbm>>
        tpu.enqueue_dma source(%dma_start3A_218 : memref<4096xi32, #tpu.memory_space<hbm>>) target(%arg6 : memref<4096xi32, #tpu.memory_space<vmem>>) target_semaphore(%arg10 : memref<!tpu.dma_semaphore, #tpu.memory_space<semaphore_mem>>)
      } else {
      }
      %dma_wait3A_169 = arith.constant 4096 : i32
      %dma_wait3A_170 = tpu.memref_slice %arg4[%add3A_49, %dma_wait3A_169] : memref<416x16384xf32, #tpu.memory_space<hbm>> -> memref<1x4096xf32, #tpu.memory_space<hbm>>
      %dma_wait3A_171 = tpu.memref_squeeze %dma_wait3A_170 : memref<1x4096xf32, #tpu.memory_space<hbm>> -> memref<4096xf32, #tpu.memory_space<hbm>>
      %dma_wait3A_172 = arith.constant 4096 : i32
      %dma_wait3A_173 = tpu.memref_slice %arg4[%add3A_49, %dma_wait3A_172] : memref<416x16384xf32, #tpu.memory_space<hbm>> -> memref<1x4096xf32, #tpu.memory_space<hbm>>
      %dma_wait3A_174 = tpu.memref_squeeze %dma_wait3A_173 : memref<1x4096xf32, #tpu.memory_space<hbm>> -> memref<4096xf32, #tpu.memory_space<hbm>>
      tpu.wait_dma2 semaphore(%arg11 : memref<!tpu.dma_semaphore, #tpu.memory_space<semaphore_mem>>) src(%arg9 : memref<4096xf32, #tpu.memory_space<vmem>>) dst(%dma_wait3A_174 : memref<4096xf32, #tpu.memory_space<hbm>>)
      %scan3A_175 = arith.constant 0 : i32
      %scan3A_176 = arith.constant 0 : i32
      %scan3A_177 = arith.constant 16 : i32
      %scan3A_178 = arith.addi %scan3A_176, %scan3A_177 : i32
      %scan3A_179 = arith.constant 1 : i32
      scf.for %scan3A_187 = %scan3A_176 to %scan3A_178 step %scan3A_179  : i32 {
        %mul3A_188 = arith.constant 256 : i32
        %mul3A_189 = arith.muli %scan3A_187, %mul3A_188 : i32
        %add3A_190 = arith.constant 0 : i32
        %add3A_191 = arith.addi %mul3A_189, %add3A_190 : i32
        %get3A = arith.index_cast %add3A_191 : i32 to index
        %get3A_192 = tpu.vector_load %arg7[%get3A] {strides = array<i32>} : memref<4096xi32, #tpu.memory_space<vmem>>, vector<16xi32>,
        %gather3A = tpu.vector_load_idx %arg5[%get3A_192] : memref<100000xf32, #tpu.memory_space<vmem>>[vector<16xi32>], vector<16xf32>,
        %swap3A = arith.index_cast %add3A_191 : i32 to index
        %swap3A_193 = tpu.vector_load %arg9[%swap3A] {strides = array<i32>} : memref<4096xf32, #tpu.memory_space<vmem>>, vector<16xf32>,
        tpu.vector_store %arg9[%swap3A], %gather3A {strides = array<i32>} : memref<4096xf32, #tpu.memory_space<vmem>>, vector<16xf32>,
        %add3A_194 = arith.constant 16 : i32
        %add3A_195 = arith.addi %mul3A_189, %add3A_194 : i32
        %get3A_196 = arith.index_cast %add3A_195 : i32 to index
        %get3A_197 = tpu.vector_load %arg7[%get3A_196] {strides = array<i32>} : memref<4096xi32, #tpu.memory_space<vmem>>, vector<16xi32>,
        %gather3A_198 = tpu.vector_load_idx %arg5[%get3A_197] : memref<100000xf32, #tpu.memory_space<vmem>>[vector<16xi32>], vector<16xf32>,
        %swap3A_199 = arith.index_cast %add3A_195 : i32 to index
        %swap3A_200 = tpu.vector_load %arg9[%swap3A_199] {strides = array<i32>} : memref<4096xf32, #tpu.memory_space<vmem>>, vector<16xf32>,
        tpu.vector_store %arg9[%swap3A_199], %gather3A_198 {strides = array<i32>} : memref<4096xf32, #tpu.memory_space<vmem>>, vector<16xf32>,
        %add3A_201 = arith.constant 32 : i32
        %add3A_202 = arith.addi %mul3A_189, %add3A_201 : i32
        %get3A_203 = arith.index_cast %add3A_202 : i32 to index
        %get3A_204 = tpu.vector_load %arg7[%get3A_203] {strides = array<i32>} : memref<4096xi32, #tpu.memory_space<vmem>>, vector<16xi32>,
        %gather3A_205 = tpu.vector_load_idx %arg5[%get3A_204] : memref<100000xf32, #tpu.memory_space<vmem>>[vector<16xi32>], vector<16xf32>,
        %swap3A_206 = arith.index_cast %add3A_202 : i32 to index
        %swap3A_207 = tpu.vector_load %arg9[%swap3A_206] {strides = array<i32>} : memref<4096xf32, #tpu.memory_space<vmem>>, vector<16xf32>,
        tpu.vector_store %arg9[%swap3A_206], %gather3A_205 {strides = array<i32>} : memref<4096xf32, #tpu.memory_space<vmem>>, vector<16xf32>,
        %add3A_208 = arith.constant 48 : i32
        %add3A_209 = arith.addi %mul3A_189, %add3A_208 : i32
        %get3A_210 = arith.index_cast %add3A_209 : i32 to index
        %get3A_211 = tpu.vector_load %arg7[%get3A_210] {strides = array<i32>} : memref<4096xi32, #tpu.memory_space<vmem>>, vector<16xi32>,
        %gather3A_212 = tpu.vector_load_idx %arg5[%get3A_211] : memref<100000xf32, #tpu.memory_space<vmem>>[vector<16xi32>], vector<16xf32>,
        %swap3A_213 = arith.index_cast %add3A_209 : i32 to index
        %swap3A_214 = tpu.vector_load %arg9[%swap3A_213] {strides = array<i32>} : memref<4096xf32, #tpu.memory_space<vmem>>, vector<16xf32>,
        tpu.vector_store %arg9[%swap3A_213], %gather3A_212 {strides = array<i32>} : memref<4096xf32, #tpu.memory_space<vmem>>, vector<16xf32>,
        %add3A_215 = arith.constant 64 : i32
        %add3A_216 = arith.addi %mul3A_189, %add3A_215 : i32
        %get3A_217 = arith.index_cast %add3A_216 : i32 to index
        %get3A_218 = tpu.vector_load %arg7[%get3A_217] {strides = array<i32>} : memref<4096xi32, #tpu.memory_space<vmem>>, vector<16xi32>,
        %gather3A_219 = tpu.vector_load_idx %arg5[%get3A_218] : memref<100000xf32, #tpu.memory_space<vmem>>[vector<16xi32>], vector<16xf32>,
        %swap3A_220 = arith.index_cast %add3A_216 : i32 to index
        %swap3A_221 = tpu.vector_load %arg9[%swap3A_220] {strides = array<i32>} : memref<4096xf32, #tpu.memory_space<vmem>>, vector<16xf32>,
        tpu.vector_store %arg9[%swap3A_220], %gather3A_219 {strides = array<i32>} : memref<4096xf32, #tpu.memory_space<vmem>>, vector<16xf32>,
        %add3A_222 = arith.constant 80 : i32
        %add3A_223 = arith.addi %mul3A_189, %add3A_222 : i32
        %get3A_224 = arith.index_cast %add3A_223 : i32 to index
        %get3A_225 = tpu.vector_load %arg7[%get3A_224] {strides = array<i32>} : memref<4096xi32, #tpu.memory_space<vmem>>, vector<16xi32>,
        %gather3A_226 = tpu.vector_load_idx %arg5[%get3A_225] : memref<100000xf32, #tpu.memory_space<vmem>>[vector<16xi32>], vector<16xf32>,
        %swap3A_227 = arith.index_cast %add3A_223 : i32 to index
        %swap3A_228 = tpu.vector_load %arg9[%swap3A_227] {strides = array<i32>} : memref<4096xf32, #tpu.memory_space<vmem>>, vector<16xf32>,
        tpu.vector_store %arg9[%swap3A_227], %gather3A_226 {strides = array<i32>} : memref<4096xf32, #tpu.memory_space<vmem>>, vector<16xf32>,
        %add3A_229 = arith.constant 96 : i32
        %add3A_230 = arith.addi %mul3A_189, %add3A_229 : i32
        %get3A_231 = arith.index_cast %add3A_230 : i32 to index
        %get3A_232 = tpu.vector_load %arg7[%get3A_231] {strides = array<i32>} : memref<4096xi32, #tpu.memory_space<vmem>>, vector<16xi32>,
        %gather3A_233 = tpu.vector_load_idx %arg5[%get3A_232] : memref<100000xf32, #tpu.memory_space<vmem>>[vector<16xi32>], vector<16xf32>,
        %swap3A_234 = arith.index_cast %add3A_230 : i32 to index
        %swap3A_235 = tpu.vector_load %arg9[%swap3A_234] {strides = array<i32>} : memref<4096xf32, #tpu.memory_space<vmem>>, vector<16xf32>,
        tpu.vector_store %arg9[%swap3A_234], %gather3A_233 {strides = array<i32>} : memref<4096xf32, #tpu.memory_space<vmem>>, vector<16xf32>,
        %add3A_236 = arith.constant 112 : i32
        %add3A_237 = arith.addi %mul3A_189, %add3A_236 : i32
        %get3A_238 = arith.index_cast %add3A_237 : i32 to index
        %get3A_239 = tpu.vector_load %arg7[%get3A_238] {strides = array<i32>} : memref<4096xi32, #tpu.memory_space<vmem>>, vector<16xi32>,
        %gather3A_240 = tpu.vector_load_idx %arg5[%get3A_239] : memref<100000xf32, #tpu.memory_space<vmem>>[vector<16xi32>], vector<16xf32>,
        %swap3A_241 = arith.index_cast %add3A_237 : i32 to index
        %swap3A_242 = tpu.vector_load %arg9[%swap3A_241] {strides = array<i32>} : memref<4096xf32, #tpu.memory_space<vmem>>, vector<16xf32>,
        tpu.vector_store %arg9[%swap3A_241], %gather3A_240 {strides = array<i32>} : memref<4096xf32, #tpu.memory_space<vmem>>, vector<16xf32>,
        %add3A_243 = arith.constant 128 : i32
        %add3A_244 = arith.addi %mul3A_189, %add3A_243 : i32
        %get3A_245 = arith.index_cast %add3A_244 : i32 to index
        %get3A_246 = tpu.vector_load %arg7[%get3A_245] {strides = array<i32>} : memref<4096xi32, #tpu.memory_space<vmem>>, vector<16xi32>,
        %gather3A_247 = tpu.vector_load_idx %arg5[%get3A_246] : memref<100000xf32, #tpu.memory_space<vmem>>[vector<16xi32>], vector<16xf32>,
        %swap3A_248 = arith.index_cast %add3A_244 : i32 to index
        %swap3A_249 = tpu.vector_load %arg9[%swap3A_248] {strides = array<i32>} : memref<4096xf32, #tpu.memory_space<vmem>>, vector<16xf32>,
        tpu.vector_store %arg9[%swap3A_248], %gather3A_247 {strides = array<i32>} : memref<4096xf32, #tpu.memory_space<vmem>>, vector<16xf32>,
        %add3A_250 = arith.constant 144 : i32
        %add3A_251 = arith.addi %mul3A_189, %add3A_250 : i32
        %get3A_252 = arith.index_cast %add3A_251 : i32 to index
        %get3A_253 = tpu.vector_load %arg7[%get3A_252] {strides = array<i32>} : memref<4096xi32, #tpu.memory_space<vmem>>, vector<16xi32>,
        %gather3A_254 = tpu.vector_load_idx %arg5[%get3A_253] : memref<100000xf32, #tpu.memory_space<vmem>>[vector<16xi32>], vector<16xf32>,
        %swap3A_255 = arith.index_cast %add3A_251 : i32 to index
        %swap3A_256 = tpu.vector_load %arg9[%swap3A_255] {strides = array<i32>} : memref<4096xf32, #tpu.memory_space<vmem>>, vector<16xf32>,
        tpu.vector_store %arg9[%swap3A_255], %gather3A_254 {strides = array<i32>} : memref<4096xf32, #tpu.memory_space<vmem>>, vector<16xf32>,
        %add3A_257 = arith.constant 160 : i32
        %add3A_258 = arith.addi %mul3A_189, %add3A_257 : i32
        %get3A_259 = arith.index_cast %add3A_258 : i32 to index
        %get3A_260 = tpu.vector_load %arg7[%get3A_259] {strides = array<i32>} : memref<4096xi32, #tpu.memory_space<vmem>>, vector<16xi32>,
        %gather3A_261 = tpu.vector_load_idx %arg5[%get3A_260] : memref<100000xf32, #tpu.memory_space<vmem>>[vector<16xi32>], vector<16xf32>,
        %swap3A_262 = arith.index_cast %add3A_258 : i32 to index
        %swap3A_263 = tpu.vector_load %arg9[%swap3A_262] {strides = array<i32>} : memref<4096xf32, #tpu.memory_space<vmem>>, vector<16xf32>,
        tpu.vector_store %arg9[%swap3A_262], %gather3A_261 {strides = array<i32>} : memref<4096xf32, #tpu.memory_space<vmem>>, vector<16xf32>,
        %add3A_264 = arith.constant 176 : i32
        %add3A_265 = arith.addi %mul3A_189, %add3A_264 : i32
        %get3A_266 = arith.index_cast %add3A_265 : i32 to index
        %get3A_267 = tpu.vector_load %arg7[%get3A_266] {strides = array<i32>} : memref<4096xi32, #tpu.memory_space<vmem>>, vector<16xi32>,
        %gather3A_268 = tpu.vector_load_idx %arg5[%get3A_267] : memref<100000xf32, #tpu.memory_space<vmem>>[vector<16xi32>], vector<16xf32>,
        %swap3A_269 = arith.index_cast %add3A_265 : i32 to index
        %swap3A_270 = tpu.vector_load %arg9[%swap3A_269] {strides = array<i32>} : memref<4096xf32, #tpu.memory_space<vmem>>, vector<16xf32>,
        tpu.vector_store %arg9[%swap3A_269], %gather3A_268 {strides = array<i32>} : memref<4096xf32, #tpu.memory_space<vmem>>, vector<16xf32>,
        %add3A_271 = arith.constant 192 : i32
        %add3A_272 = arith.addi %mul3A_189, %add3A_271 : i32
        %get3A_273 = arith.index_cast %add3A_272 : i32 to index
        %get3A_274 = tpu.vector_load %arg7[%get3A_273] {strides = array<i32>} : memref<4096xi32, #tpu.memory_space<vmem>>, vector<16xi32>,
        %gather3A_275 = tpu.vector_load_idx %arg5[%get3A_274] : memref<100000xf32, #tpu.memory_space<vmem>>[vector<16xi32>], vector<16xf32>,
        %swap3A_276 = arith.index_cast %add3A_272 : i32 to index
        %swap3A_277 = tpu.vector_load %arg9[%swap3A_276] {strides = array<i32>} : memref<4096xf32, #tpu.memory_space<vmem>>, vector<16xf32>,
        tpu.vector_store %arg9[%swap3A_276], %gather3A_275 {strides = array<i32>} : memref<4096xf32, #tpu.memory_space<vmem>>, vector<16xf32>,
        %add3A_278 = arith.constant 208 : i32
        %add3A_279 = arith.addi %mul3A_189, %add3A_278 : i32
        %get3A_280 = arith.index_cast %add3A_279 : i32 to index
        %get3A_281 = tpu.vector_load %arg7[%get3A_280] {strides = array<i32>} : memref<4096xi32, #tpu.memory_space<vmem>>, vector<16xi32>,
        %gather3A_282 = tpu.vector_load_idx %arg5[%get3A_281] : memref<100000xf32, #tpu.memory_space<vmem>>[vector<16xi32>], vector<16xf32>,
        %swap3A_283 = arith.index_cast %add3A_279 : i32 to index
        %swap3A_284 = tpu.vector_load %arg9[%swap3A_283] {strides = array<i32>} : memref<4096xf32, #tpu.memory_space<vmem>>, vector<16xf32>,
        tpu.vector_store %arg9[%swap3A_283], %gather3A_282 {strides = array<i32>} : memref<4096xf32, #tpu.memory_space<vmem>>, vector<16xf32>,
        %add3A_285 = arith.constant 224 : i32
        %add3A_286 = arith.addi %mul3A_189, %add3A_285 : i32
        %get3A_287 = arith.index_cast %add3A_286 : i32 to index
        %get3A_288 = tpu.vector_load %arg7[%get3A_287] {strides = array<i32>} : memref<4096xi32, #tpu.memory_space<vmem>>, vector<16xi32>,
        %gather3A_289 = tpu.vector_load_idx %arg5[%get3A_288] : memref<100000xf32, #tpu.memory_space<vmem>>[vector<16xi32>], vector<16xf32>,
        %swap3A_290 = arith.index_cast %add3A_286 : i32 to index
        %swap3A_291 = tpu.vector_load %arg9[%swap3A_290] {strides = array<i32>} : memref<4096xf32, #tpu.memory_space<vmem>>, vector<16xf32>,
        tpu.vector_store %arg9[%swap3A_290], %gather3A_289 {strides = array<i32>} : memref<4096xf32, #tpu.memory_space<vmem>>, vector<16xf32>,
        %add3A_292 = arith.constant 240 : i32
        %add3A_293 = arith.addi %mul3A_189, %add3A_292 : i32
        %get3A_294 = arith.index_cast %add3A_293 : i32 to index
        %get3A_295 = tpu.vector_load %arg7[%get3A_294] {strides = array<i32>} : memref<4096xi32, #tpu.memory_space<vmem>>, vector<16xi32>,
        %gather3A_296 = tpu.vector_load_idx %arg5[%get3A_295] : memref<100000xf32, #tpu.memory_space<vmem>>[vector<16xi32>], vector<16xf32>,
        %swap3A_297 = arith.index_cast %add3A_293 : i32 to index
        %swap3A_298 = tpu.vector_load %arg9[%swap3A_297] {strides = array<i32>} : memref<4096xf32, #tpu.memory_space<vmem>>, vector<16xf32>,
        tpu.vector_store %arg9[%swap3A_297], %gather3A_296 {strides = array<i32>} : memref<4096xf32, #tpu.memory_space<vmem>>, vector<16xf32>,
      }
      %scan3A_180 = arith.constant 16 : i32
      %dma_start3A_181 = arith.constant 12288 : i32
      %dma_start3A_182 = tpu.memref_slice %arg4[%add3A_49, %dma_start3A_181] : memref<416x16384xf32, #tpu.memory_space<hbm>> -> memref<1x4096xf32, #tpu.memory_space<hbm>>
      %dma_start3A_183 = tpu.memref_squeeze %dma_start3A_182 : memref<1x4096xf32, #tpu.memory_space<hbm>> -> memref<4096xf32, #tpu.memory_space<hbm>>
      %dma_start3A_184 = arith.constant 12288 : i32
      %dma_start3A_185 = tpu.memref_slice %arg4[%add3A_49, %dma_start3A_184] : memref<416x16384xf32, #tpu.memory_space<hbm>> -> memref<1x4096xf32, #tpu.memory_space<hbm>>
      %dma_start3A_186 = tpu.memref_squeeze %dma_start3A_185 : memref<1x4096xf32, #tpu.memory_space<hbm>> -> memref<4096xf32, #tpu.memory_space<hbm>>
      tpu.enqueue_dma source(%arg9 : memref<4096xf32, #tpu.memory_space<vmem>>) target(%dma_start3A_186 : memref<4096xf32, #tpu.memory_space<hbm>>) target_semaphore(%arg11 : memref<!tpu.dma_semaphore, #tpu.memory_space<semaphore_mem>>)
    }
    %scan3A_28 = arith.constant 13 : i32
    %mul3A_29 = arith.constant 13 : i32
    %mul3A_30 = arith.muli %add3A, %mul3A_29 : i32
    %add3A_31 = arith.constant 13 : i32
    %add3A_32 = arith.addi %mul3A_30, %add3A_31 : i32
    %sub3A_33 = arith.constant 1 : i32
    %sub3A_34 = arith.subi %add3A_32, %sub3A_33 : i32
    %dma_wait3A = arith.constant 8192 : i32
    %dma_wait3A_35 = tpu.memref_slice %arg4[%sub3A_34, %dma_wait3A] : memref<416x16384xf32, #tpu.memory_space<hbm>> -> memref<1x4096xf32, #tpu.memory_space<hbm>>
    %dma_wait3A_36 = tpu.memref_squeeze %dma_wait3A_35 : memref<1x4096xf32, #tpu.memory_space<hbm>> -> memref<4096xf32, #tpu.memory_space<hbm>>
    %dma_wait3A_37 = arith.constant 8192 : i32
    %dma_wait3A_38 = tpu.memref_slice %arg4[%sub3A_34, %dma_wait3A_37] : memref<416x16384xf32, #tpu.memory_space<hbm>> -> memref<1x4096xf32, #tpu.memory_space<hbm>>
    %dma_wait3A_39 = tpu.memref_squeeze %dma_wait3A_38 : memref<1x4096xf32, #tpu.memory_space<hbm>> -> memref<4096xf32, #tpu.memory_space<hbm>>
    tpu.wait_dma2 semaphore(%arg11 : memref<!tpu.dma_semaphore, #tpu.memory_space<semaphore_mem>>) src(%arg8 : memref<4096xf32, #tpu.memory_space<vmem>>) dst(%dma_wait3A_39 : memref<4096xf32, #tpu.memory_space<hbm>>)
    %dma_wait3A_40 = arith.constant 12288 : i32
    %dma_wait3A_41 = tpu.memref_slice %arg4[%sub3A_34, %dma_wait3A_40] : memref<416x16384xf32, #tpu.memory_space<hbm>> -> memref<1x4096xf32, #tpu.memory_space<hbm>>
    %dma_wait3A_42 = tpu.memref_squeeze %dma_wait3A_41 : memref<1x4096xf32, #tpu.memory_space<hbm>> -> memref<4096xf32, #tpu.memory_space<hbm>>
    %dma_wait3A_43 = arith.constant 12288 : i32
    %dma_wait3A_44 = tpu.memref_slice %arg4[%sub3A_34, %dma_wait3A_43] : memref<416x16384xf32, #tpu.memory_space<hbm>> -> memref<1x4096xf32, #tpu.memory_space<hbm>>
    %dma_wait3A_45 = tpu.memref_squeeze %dma_wait3A_44 : memref<1x4096xf32, #tpu.memory_space<hbm>> -> memref<4096xf32, #tpu.memory_space<hbm>>
    tpu.wait_dma2 semaphore(%arg11 : memref<!tpu.dma_semaphore, #tpu.memory_space<semaphore_mem>>) src(%arg9 : memref<4096xf32, #tpu.memory_space<vmem>>) dst(%dma_wait3A_45 : memref<4096xf32, #tpu.memory_space<hbm>>)
    return
  }
}

</mosaic_0001>

<sc_bundles>
// kernel: kernel.3.cloned.1.call-start
scs
__scs_entry_jumppad:
0x0: {  	(pc) =	sbr.rel $0x88, $3  }
0x1: {  	(tag) =	ssettag $0x0;
	lr =	simm.s32 $0x1  }
0x2: {  	[smem:$0x3F9F] =	sst lr;
	_ =	strace $0xD0000000  }
0x3: {  	_ = 	snop  }
0x4: {  	_ = 	snop  }
0x5: {  	_ = 	snop  }
0x6: {  	_ = 	snop  }
0x7: {  	_ = 	snop  }
__scs_overlays_trampoline_lowered:
0x8: {  	[smem:$0x3FAE] =	sst s0  }
0x9: {  	[smem:$0x3FAF] =	sst s1  }
0xa: {  	[smem:$0x3FB0] =	sst s2  }
0xb: {  	[smem:$0x3FB1] =	sst s3  }
0xc: {  	[smem:$0x3FB2] =	sst s4  }
0xd: {  	[smem:$0x3FB3] =	sst s5  }
0xe: {  	[smem:$0x3FB4] =	sst s6  }
0xf: {  	[smem:$0x3FB5] =	sst s7  }
0x10: {  	[smem:$0x3FB6] =	sst s8  }
0x11: {  	[smem:$0x3FB7] =	sst s9;
	s0 =	simm.s32 @!p0 $0x0  }
0x12: {  	s1 =	sld [smem:$0x3F9D];
	s0 =	simm.s32 @p0 $0x1  }
0x13: {  	[smem:$0x3FB8] =	sst s0;
	s0 =	simm.s32 @!p1 $0x0  }
0x14: {  	s2 =	sld [smem:$0x3F9C];
	s0 =	simm.s32 @p1 $0x1  }
0x15: {  	[smem:$0x3FB9] =	sst s0;
	s0 =	simm.s32 @!p2 $0x0  }
0x16: {  	s3 =	sld [smem:$0x3FDB];
	s0 =	simm.s32 @p2 $0x1  }
0x17: {  	s4 =	simm.s32 $0x1BF5;
	[smem:$0x3FBB] =	sst s0  }
0x18: {  	s0 =	sld [smem:$0x3F9E];
	_ =	swait.ge [sflag:s4], $0x0  }
0x19: {  	s7 =	sld [smem:$0x3F9F]  }
0x1a: {  	s8 =	sadd.s32 $0xFFFFE003, lr  }
0x1b: {  	s9 =	sadd.s32 $0xFFFFFEF7, lr;
	s5 =	simm.s32 $0xFFFFFFFF;
	p2 =	slt.u32 s8, $0xFFFFF086  }
0x1c: {  	p1 =	slt.u32 s9, $0xF7A;
	s5 =	simm.s32 @!p2 $0x0  }
0x1d: {  	s5 =	simm.s32 @p1 $0x1;
	p0 =	seq.s32 s7, s2  }
0x1e: {  	s7 =	smul.u32 @!p0 $0xF7A, s2;
	p2 =	seq.s32 @!p0 s5, $0x0  }
0x1f: {  	s9 =	smul.u32 $0xF7A, s1;
	s8 =	simm.s32 @!p0 $0x1BF5;
	p2 =	por !p2, p0  }
0x20: {  	[sflag:s8] =	ssyncset.s32 @!p0 $0xFFFFF086;
	s6 =	sadd.s32 @!p0 s3, s7;
	s7 =	simm.s32 @!p0 $0x108  }
0x21: {  	s3 =	sadd.s32 s3, s9;
	s6 =	sadd.s32 @!p0 $0x88, s6;
	s7 =	simm.s32 @p2 $0x1082  }
0x22: {  	[simem:s7], [sflag:s8] =	dma.local @!p0 [hbm:s6], $0xF7A  }
0x23: {  	s9 =	sor.u32 $0xD0000000, s2;
	s6 =	simm.s32 $0x108;
	_ =	swait.ge @!p0 [sflag:s8], $0x0  }
0x24: {  	s3 =	sadd.s32 $0x88, s3;
	s6 =	simm.s32 @!p1 $0x1082;
	[sflag:s4] =	ssyncset.s32 $0xFFFFF086  }
0x25: {  	[simem:s6], [sflag:s4] =	dma.local [hbm:s3], $0xF7A  }
0x26: {  	[smem:$0x3F9F] =	sst s1;
	(tag) =	ssettag s2;
	_ =	strace s9  }
0x27: {  	s1 =	sld [smem:$0x3FAF]  }
0x28: {  	s2 =	sld [smem:$0x3FB0]  }
0x29: {  	s4 =	sld [smem:$0x3FB2]  }
0x2a: {  	p0 =	seq.s32 s5, $0x0;
	s5 =	sld [smem:$0x3FB3]  }
0x2b: {  	s6 =	sld [smem:$0x3FB4]  }
0x2c: {  	s7 =	sld [smem:$0x3FB5]  }
0x2d: {  	s3 =	simm.s32 $0x108;
	s8 =	sld [smem:$0x3FB6]  }
0x2e: {  	s3 =	simm.s32 @!p0 $0x1082;
	s9 =	sld [smem:$0x3FB7]  }
0x2f: {  	lr =	sadd.s32 s0, s3;
	s0 =	sld [smem:$0x3FAE]  }
0x30: {  	s3 =	sld [smem:$0x3FB1]  }
0x31: {  	[smem:$0x3FBA] =	sst s10  }
0x32: {  	s10 =	sld [smem:$0x3FB8];
	_ =	sdelay $0x3  }
0x33: {  	p0 =	seq.s32 s10, $0x1;
	s10 =	sld [smem:$0x3FBA];
	_ =	sdelay $0x3  }
0x34: {  	[smem:$0x3FBA] =	sst s10  }
0x35: {  	s10 =	sld [smem:$0x3FB9];
	_ =	sdelay $0x3  }
0x36: {  	p1 =	seq.s32 s10, $0x1;
	s10 =	sld [smem:$0x3FBA];
	_ =	sdelay $0x3  }
0x37: {  	[smem:$0x3FBA] =	sst s10  }
0x38: {  	s10 =	sld [smem:$0x3FBB]  }
0x39: {  	_ = 	snop;
	(pc) =	sbr.ind lr, $3  }
0x3a: {  	_ = 	snop  }
0x3b: {  	_ = 	snop  }
0x3c: {  	p2 =	seq.s32 s10, $0x1;
	s10 =	sld [smem:$0x3FBA]  }
0x3d: {  	_ =	shalt  }
0x3e: {  	_ =	shalt  }
0x3f: {  	_ =	shalt  }
0x40: {  	_ =	shalt  }
0x41: {  	_ =	shalt  }
0x42: {  	_ =	shalt  }
0x43: {  	_ =	shalt  }
0x44: {  	_ =	shalt  }
0x45: {  	_ =	shalt  }
0x46: {  	_ =	shalt  }
0x47: {  	_ =	shalt  }
0x48: {  	_ =	shalt  }
0x49: {  	_ =	shalt  }
0x4a: {  	_ =	shalt  }
0x4b: {  	_ =	shalt  }
0x4c: {  	_ =	shalt  }
0x4d: {  	_ =	shalt  }
0x4e: {  	_ =	shalt  }
0x4f: {  	_ =	shalt  }
0x50: {  	_ =	shalt  }
0x51: {  	_ =	shalt  }
0x52: {  	_ =	shalt  }
0x53: {  	_ =	shalt  }
0x54: {  	_ =	shalt  }
0x55: {  	_ =	shalt  }
0x56: {  	_ =	shalt  }
0x57: {  	_ =	shalt  }
0x58: {  	_ =	shalt  }
0x59: {  	_ =	shalt  }
0x5a: {  	_ =	shalt  }
0x5b: {  	_ =	shalt  }
0x5c: {  	_ =	shalt  }
0x5d: {  	_ =	shalt  }
0x5e: {  	_ =	shalt  }
0x5f: {  	_ =	shalt  }
0x60: {  	_ =	shalt  }
0x61: {  	_ =	shalt  }
0x62: {  	_ =	shalt  }
0x63: {  	_ =	shalt  }
0x64: {  	_ =	shalt  }
0x65: {  	_ =	shalt  }
0x66: {  	_ =	shalt  }
0x67: {  	_ =	shalt  }
0x68: {  	_ =	shalt  }
0x69: {  	_ =	shalt  }
0x6a: {  	_ =	shalt  }
0x6b: {  	_ =	shalt  }
0x6c: {  	_ =	shalt  }
0x6d: {  	_ =	shalt  }
0x6e: {  	_ =	shalt  }
0x6f: {  	_ =	shalt  }
0x70: {  	_ =	shalt  }
0x71: {  	_ =	shalt  }
0x72: {  	_ =	shalt  }
0x73: {  	_ =	shalt  }
0x74: {  	_ =	shalt  }
0x75: {  	_ =	shalt  }
0x76: {  	_ =	shalt  }
0x77: {  	_ =	shalt  }
0x78: {  	_ =	shalt  }
0x79: {  	_ =	shalt  }
0x7a: {  	_ =	shalt  }
0x7b: {  	_ =	shalt  }
0x7c: {  	_ =	shalt  }
0x7d: {  	_ =	shalt  }
0x7e: {  	_ =	shalt  }
0x7f: {  	_ =	shalt  }
0x80: {  	_ =	shalt  }
0x81: {  	_ =	shalt  }
0x82: {  	_ =	shalt  }
0x83: {  	_ =	shalt  }
0x84: {  	_ =	shalt  }
0x85: {  	_ =	shalt  }
0x86: {  	_ =	shalt  }
0x87: {  	_ =	shalt  }
.Lfunc_end0:
.L_simem_size_0:
called_computation_lowered:
.L_overlay_start_0:
0x88: {  	s2 =	sld [smem:$0x3FD9]  }
0x89: {  	s3 =	sld [smem:$0x3FFE];
	_ =	sdelay $0x1  }
0x8a: {  	s1 =	srdreg.scid  }
0x8b: {  	s0 =	sand.u32 $0x1, s1  }
0x8c: {  	s18 =	sshll.u32 s0, $0xA;
	s2 =	sadd.s32 s3, s2  }
0x8d: {  	s2 =	sadd.s32 s2, s18  }
0x8e: {  	[smem:$0x3FC6] =	sst s2  }
0x8f: {  	_ = 	snop  }
0x90: {  	s2 =	sld [smem:$0x3FC9]  }
0x91: {  	s19 =	sld [smem:$0x3FC8]  }
0x92: {  	s4 =	sld [smem:$0x3FD0];
	(tm) =	ssettm $0x1  }
0x93: {  	s5 =	sld [smem:$0x3FFB];
	_ =	sdelay $0x3  }
0x94: {  	_ =	strace s5  }
0x95: {  	s5 =	sld [smem:$0x3FFC];
	_ =	sdelay $0x3  }
0x96: {  	_ =	strace s5  }
0x97: {  	s5 =	sld [smem:$0x3FFD];
	_ =	sdelay $0x3  }
0x98: {  	_ =	strace s5  }
0x99: {  	_ =	strace $0x8FFFFFFF  }
0x9a: {  	s20 =	sld [smem:$0x3FDB];
	_ =	sdelay $0x1  }
0x9b: {  	s6 =	simm.s32 $_scs_section_size  }
0x9c: {  	s7 =	simm.s32 $_size__tile_overlayer_lowered;
	s8 =	simm.s32 $_tile_overlayer_lowered  }
0x9d: {  	s23 =	simm.s32 $0x1BFF;
	s22 =	sshll.u32 s8, $0x1;
	s5 =	sadd.s32 s6, s20  }
0x9e: {  	s9 =	simm.s32 $0x0;
	s21 =	sshll.u32 s7, $0x1;
	s7 =	sadd.s32 s22, s5  }
0x9f: {  	[timem:s9], [sflag:s23] =	dma.local [hbm:s7], s21  }
0xa0: {  	_ =	swait.ge [sflag:s23], s21  }
0xa1: {  	s6 =	ssub.s32 $0x0, s21;
	[sflag:s23] =	ssyncset.done $0x0  }
0xa2: {  	[sflag:s23] =	ssyncadd.s32 s6;
	_ =	sdelay $0x1  }
0xa3: {  	s24 =	simm.s32 $0x1B8B  }
0xa4: {  	_ =	swait.ge [sflag:s24], $0x1  }
0xa5: {  	[sflag:s24] =	ssyncset.done $0x0  }
0xa6: {  	s25 =	simm.s32 $0x1B8E;
	[sflag:s24] =	ssyncadd.s32 $0xFFFFFFFF  }
0xa7: {  	s26 =	simm.s32 $execute0_lowered;
	[smem:$0x3FD2] =	sst s25  }
0xa8: {  	s6 =	sshll.u32 s26, $0x1;
	_ =	strace $0x80000046;
	[dreg:$0x1] =	wrdreg $0xFFFFFFFF  }
0xa9: {  	s28 =	simm.s32 $_size_execute0_lowered;
	s5 =	sadd.s32 s5, s6;
	[dreg:$0x0] =	wrdreg $0x0  }
0xaa: {  	s6 =	sshll.u32 s28, $0x1;
	[dreg:$0x2] =	wrdreg s5  }
0xab: {  	[dreg:$0x3] =	wrdreg s6  }
0xac: {  	[dreg:$0x4] =	wrdreg $0xC0  }
0xad: {  	_ =	task [dreg:s9], $0x5FFFF  }
0xae: {  	[dreg:$0x1] =	wrdreg $0xFFFFFFFF  }
0xaf: {  	[dreg:$0x0] =	wrdreg $0x60  }
0xb0: {  	[dreg:$0x2] =	wrdreg s19  }
0xb1: {  	[dreg:$0x3] =	wrdreg s2  }
0xb2: {  	[dreg:$0x4] =	wrdreg s4  }
0xb3: {  	[dreg:$0x5] =	wrdreg $0x9  }
0xb4: {  	_ =	task.clear_ibuf [dreg:s9], $0x6FFFF;
	_ =	strace $0x90000046  }
0xb5: {  	s29 =	simm.s32 $0x9;
	_ =	strace $0x80000048  }
0xb6: {  	_ =	swait.ge [sflag:s29], $0x1  }
0xb7: {  	[sflag:s29] =	ssyncadd.s32 $0xFFFFFFFF  }
0xb8: {  	_ =	strace $0x90000048  }
0xb9: {  	_ =	sfence  }
0xba: {  	s30 =	sld [smem:$0x0];
	_ =	sdelay $0x2  }
0xbb: {  	s31 =	sshll.u32 s1, $0xD;
	s1 =	sshrl.u32 s1, $0x2  }
0xbc: {  	s3 =	sand.u32 $0x4000, s31;
	s1 =	sadd.s32 s1, s30  }
0xbd: {  	s0 =	sor.u32 s3, s0;
	s1 =	sshll.u32 s1, $0x11  }
0xbe: {  	s0 =	sor.u32 s1, s0  }
0xbf: {  	s0 =	sadd.s32 $0x8F2B, s0  }
0xc0: {  	[sflag:s0] =	ssyncadd.remote.s32 $0x1  }
0xc1: {  	_ =	sfence.sel $0xFFFF  }
0xc2: {  	[dreg:$0x0] =	wrdreg $0xFFFFFFFF;
	(pc) =	sbr.abs _section_cstart, $3  }
0xc3: {  	[dreg:$0x1] =	wrdreg $0xFFFFFFFF  }
0xc4: {  	_ =	task.clear_ibuf [dreg:s9], $0x2FFFF;
	_ =	strace $0x9FFFFFFF  }
0xc5: {  	(tm) =	ssettm $0x7FFFFFFF  }
tec
execute0_lowered:
.L_overlay_start_1:
0x0: {  	(tag) =	ssettag $0x1  }
0x1: {  	s1 =	rddreg [dreg:$0x0];
	s0 =	srdreg.scid  }
0x2: {  	s2 =	stileid.u32;
	s3 =	rddreg [dreg:$0x1]  }
0x3: {  	s4 =	rddreg [dreg:$0x2];
	s5 =	simm.s32 $0x0;
	s15 =	simm.s32 $0x80  }
0x4: {  	s16 =	simm.s32 $0x400;
	s17 =	simm.s32 $0x18700;
	s18 =	simm.s32 $0x3  }
0x5: {  	s19 =	simm.s32 $0x1;
	s20 =	simm.s32 $0x19700;
	s21 =	simm.s32 $0x1A700  }
0x6: {  	s22 =	simm.s32 $0x1B700;
	s23 =	simm.s32 $0x2;
	s24 =	simm.s32 $0x0  }
0x7: {  	s0 =	sand.u32 $0x1, s0;
	s2 =	sshll.u32 s2, $0x1;
	[smem:$0x7FF] =	sst s5  }
0x8: {  	s9 =	sadd.s32 $0x2000, s3;
	s10 =	sadd.s32 $0x1000, s4;
	s2 =	sor.u32 s0, s2  }
0x9: {  	s11 =	sadd.s32 $0x3000, s3;
	s12 =	sadd.s32 $0x2000, s4;
	s6 =	smul.u32 $0xD, s2  }
0xa: {  	s13 =	sadd.s32 $0x3000, s4;
	s0 =	ssub.s32 $0x2, s0;
	s2 =	smul.u32 $0x680, s2  }
0xb: {  	_ =	strace $0x80000047;
	s7 =	sshrl.u32 s0, $0x1;
	s8 =	sand.u32 $0x70, s6  }
0xc: {  	s0 =	ssub.s32 s0, s7;
	s2 =	sand.u32 $0xC000, s2;
	s31 =	sadd.s32 s3, s8  }
0xd: {  	s14 =	smax.u32 s0, $0x1;
	s8 =	sadd.s32 $0x1000, s3;
	s7 =	sadd.s32 s2, s31  }
.LBB2_1:
0xe: {  	[tilespmem:s17], [sflag:$0x1] =	stream.strided.gather [hbm4b:s7+s15], $0x1000, s16, s15, $0x38;
	[tilespmem:$0x1C700] =	vst v63  }
0xf: {  	s25 =	simm.s32 $0x0  }
.LBB2_2:
0x10: {  	s26 =	sadd.s32 s6, s25  }
0x11: {  	s28 =	sshrl.u32 s26, $0x3  }
0x12: {  	s0 =	sshll.u32 s26, $0x7;
	s2 =	smul.u32 $0xC3800, s28  }
0x13: {  	s30 =	sand.u32 $0x380, s0  }
0x14: {  	s2 =	sor.u32 s30, s2  }
0x15: {  	s2 =	sshrl.u32 s2, $0x3  }
0x16: {  	s2 =	sadd.s32 s1, s2  }
0x17: {  	[tilespmem:s5], [sflag:$0x3] =	stream.strided.gather [hbm4b:s2+s15], $0x18700, s16, s15, $0x38;
	[tilespmem:$0x1C700] =	vst v63  }
0x18: {  	_ =	swait.ge [sflag:s18], $0x18700  }
0x19: {  	[sflag:s18] =	ssyncset.done $0x0  }
0x1a: {  	[sflag:s18] =	ssyncadd.s32 $0xFFFE7900  }
0x1b: {  	s0 =	sand.u32 $0xFFFC000, s0;
	s2 =	sand.u32 $0x70, s26;
	_ =	swait.ge [sflag:s19], $0x1000  }
0x1c: {  	s29 =	sor.u32 s2, s0;
	[sflag:s19] =	ssyncset.done $0x0  }
0x1d: {  	p0 =	seq.s32 s25, $0x0;
	s0 =	sadd.s32 s29, s8;
	[sflag:s19] =	ssyncadd.s32 $0xFFFFF000  }
0x1e: {  	[tilespmem:s20], [sflag:$0x1] =	stream.strided.gather [hbm4b:s0+s15], $0x1000, s16, s15, $0x38;
	[tilespmem:$0x1C700] =	vst v63  }
0x1f: {  	s0 =	simm.s32 @!p0 $0x2  }
0x20: {  	_ =	swait.ge @!p0 [sflag:s0], $0x1000  }
0x21: {  	[sflag:s0] =	ssyncset.done @!p0 $0x0  }
0x22: {  	s31 =	simm.s32 $0x0;
	[sflag:s0] =	ssyncadd.s32 @!p0 $0xFFFFF000  }
0x23: {  	v0 =	vld [tilespmem:s31+$0x18700];
	_ =	sdelay $0x5  }
0x24: {  	v1 =	vld [tilespmem:s31+$0x18710];
	_ =	sdelay $0x1  }
0x25: {  	v0 =	vld.idx.msk [tilespmem:v0+s5+$0x0], $0xffff;
	_ =	sdelay $0x4  }
0x26: {  	[tilespmem:s31+$0x1A700] =	vst v0;
	v0 =	vld [tilespmem:s31+$0x18720]  }
0x27: {  	v1 =	vld.idx.msk [tilespmem:v1+s5+$0x0], $0xffff;
	_ =	sdelay $0x4  }
0x28: {  	[tilespmem:s31+$0x1A710] =	vst v1;
	v1 =	vld [tilespmem:s31+$0x18730];
	_ =	sdelay $0x1  }
0x29: {  	v0 =	vld.idx.msk [tilespmem:v0+s5+$0x0], $0xffff;
	_ =	sdelay $0x4  }
0x2a: {  	[tilespmem:s31+$0x1A720] =	vst v0;
	v0 =	vld [tilespmem:s31+$0x18740]  }
0x2b: {  	v1 =	vld.idx.msk [tilespmem:v1+s5+$0x0], $0xffff;
	_ =	sdelay $0x4  }
0x2c: {  	[tilespmem:s31+$0x1A730] =	vst v1;
	v1 =	vld [tilespmem:s31+$0x18750];
	_ =	sdelay $0x1  }
0x2d: {  	v0 =	vld.idx.msk [tilespmem:v0+s5+$0x0], $0xffff;
	_ =	sdelay $0x4  }
0x2e: {  	[tilespmem:s31+$0x1A740] =	vst v0;
	v0 =	vld [tilespmem:s31+$0x18760]  }
0x2f: {  	v1 =	vld.idx.msk [tilespmem:v1+s5+$0x0], $0xffff;
	_ =	sdelay $0x4  }
0x30: {  	[tilespmem:s31+$0x1A750] =	vst v1;
	v1 =	vld [tilespmem:s31+$0x18770];
	_ =	sdelay $0x1  }
0x31: {  	v0 =	vld.idx.msk [tilespmem:v0+s5+$0x0], $0xffff;
	_ =	sdelay $0x4  }
0x32: {  	[tilespmem:s31+$0x1A760] =	vst v0;
	v0 =	vld [tilespmem:s31+$0x18780]  }
0x33: {  	v1 =	vld.idx.msk [tilespmem:v1+s5+$0x0], $0xffff;
	_ =	sdelay $0x4  }
0x34: {  	[tilespmem:s31+$0x1A770] =	vst v1;
	v1 =	vld [tilespmem:s31+$0x18790];
	_ =	sdelay $0x1  }
0x35: {  	v0 =	vld.idx.msk [tilespmem:v0+s5+$0x0], $0xffff;
	_ =	sdelay $0x4  }
0x36: {  	[tilespmem:s31+$0x1A780] =	vst v0;
	v0 =	vld [tilespmem:s31+$0x187A0]  }
0x37: {  	v1 =	vld.idx.msk [tilespmem:v1+s5+$0x0], $0xffff;
	_ =	sdelay $0x4  }
0x38: {  	[tilespmem:s31+$0x1A790] =	vst v1;
	v1 =	vld [tilespmem:s31+$0x187B0];
	_ =	sdelay $0x1  }
0x39: {  	v0 =	vld.idx.msk [tilespmem:v0+s5+$0x0], $0xffff;
	_ =	sdelay $0x4  }
0x3a: {  	[tilespmem:s31+$0x1A7A0] =	vst v0;
	v0 =	vld [tilespmem:s31+$0x187C0]  }
0x3b: {  	v1 =	vld.idx.msk [tilespmem:v1+s5+$0x0], $0xffff;
	_ =	sdelay $0x4  }
0x3c: {  	[tilespmem:s31+$0x1A7B0] =	vst v1;
	v1 =	vld [tilespmem:s31+$0x187D0];
	_ =	sdelay $0x1  }
0x3d: {  	v0 =	vld.idx.msk [tilespmem:v0+s5+$0x0], $0xffff;
	_ =	sdelay $0x4  }
0x3e: {  	v2 =	vld [tilespmem:s31+$0x187E0];
	[tilespmem:s31+$0x1A7C0] =	vst v0  }
0x3f: {  	v0 =	vld.idx.msk [tilespmem:v1+s5+$0x0], $0xffff;
	_ =	sdelay $0x4  }
0x40: {  	[tilespmem:s31+$0x1A7D0] =	vst v0;
	v0 =	vld [tilespmem:s31+$0x187F0];
	_ =	sdelay $0x1  }
0x41: {  	v1 =	vld.idx.msk [tilespmem:v2+s5+$0x0], $0xffff;
	_ =	sdelay $0x3  }
0x42: {  	s2 =	simm.s32 $0x800;
	s0 =	simm.s32 $0x100  }
.LBB2_3:
0x43: {  	p1 =	sne.s32 s2, $0x3C00;
	v2 =	vld [tilespmem:s0+$0x18700];
	[tilespmem:s31+$0x1A7E0] =	vst v1  }
0x44: {  	v0 =	vld.idx.msk [tilespmem:v0+s5+$0x0], $0xffff;
	_ =	sdelay $0x5  }
0x45: {  	v1 =	vld [tilespmem:s0+$0x18710];
	[tilespmem:s31+$0x1A7F0] =	vst v0;
	s31 =	smov.u32 s0  }
0x46: {  	v0 =	vld.idx.msk [tilespmem:v2+s5+$0x0], $0xffff;
	_ =	sdelay $0x5  }
0x47: {  	[tilespmem:s31+$0x1A700] =	vst v0;
	v0 =	vld [tilespmem:s31+$0x18720]  }
0x48: {  	v1 =	vld.idx.msk [tilespmem:v1+s5+$0x0], $0xffff;
	_ =	sdelay $0x5  }
0x49: {  	[tilespmem:s31+$0x1A710] =	vst v1;
	v1 =	vld [tilespmem:s31+$0x18730]  }
0x4a: {  	v0 =	vld.idx.msk [tilespmem:v0+s5+$0x0], $0xffff;
	_ =	sdelay $0x5  }
0x4b: {  	[tilespmem:s31+$0x1A720] =	vst v0;
	v0 =	vld [tilespmem:s31+$0x18740]  }
0x4c: {  	v1 =	vld.idx.msk [tilespmem:v1+s5+$0x0], $0xffff;
	_ =	sdelay $0x5  }
0x4d: {  	[tilespmem:s31+$0x1A730] =	vst v1;
	v1 =	vld [tilespmem:s31+$0x18750]  }
0x4e: {  	v0 =	vld.idx.msk [tilespmem:v0+s5+$0x0], $0xffff;
	_ =	sdelay $0x5  }
0x4f: {  	[tilespmem:s31+$0x1A740] =	vst v0;
	v0 =	vld [tilespmem:s31+$0x18760]  }
0x50: {  	v1 =	vld.idx.msk [tilespmem:v1+s5+$0x0], $0xffff;
	_ =	sdelay $0x5  }
0x51: {  	[tilespmem:s31+$0x1A750] =	vst v1;
	v1 =	vld [tilespmem:s31+$0x18770]  }
0x52: {  	v0 =	vld.idx.msk [tilespmem:v0+s5+$0x0], $0xffff;
	_ =	sdelay $0x5  }
0x53: {  	[tilespmem:s31+$0x1A760] =	vst v0;
	v0 =	vld [tilespmem:s31+$0x18780]  }
0x54: {  	v1 =	vld.idx.msk [tilespmem:v1+s5+$0x0], $0xffff;
	_ =	sdelay $0x5  }
0x55: {  	[tilespmem:s31+$0x1A770] =	vst v1;
	v1 =	vld [tilespmem:s31+$0x18790]  }
0x56: {  	v0 =	vld.idx.msk [tilespmem:v0+s5+$0x0], $0xffff;
	_ =	sdelay $0x5  }
0x57: {  	[tilespmem:s31+$0x1A780] =	vst v0;
	v0 =	vld [tilespmem:s31+$0x187A0]  }
0x58: {  	v1 =	vld.idx.msk [tilespmem:v1+s5+$0x0], $0xffff;
	_ =	sdelay $0x5  }
0x59: {  	[tilespmem:s31+$0x1A790] =	vst v1;
	v1 =	vld [tilespmem:s31+$0x187B0]  }
0x5a: {  	v0 =	vld.idx.msk [tilespmem:v0+s5+$0x0], $0xffff;
	_ =	sdelay $0x5  }
0x5b: {  	[tilespmem:s31+$0x1A7A0] =	vst v0;
	v0 =	vld [tilespmem:s31+$0x187C0]  }
0x5c: {  	v1 =	vld.idx.msk [tilespmem:v1+s5+$0x0], $0xffff;
	_ =	sdelay $0x5  }
0x5d: {  	[tilespmem:s31+$0x1A7B0] =	vst v1;
	v1 =	vld [tilespmem:s31+$0x187D0]  }
0x5e: {  	v0 =	vld.idx.msk [tilespmem:v0+s5+$0x0], $0xffff;
	_ =	sdelay $0x5  }
0x5f: {  	[tilespmem:s31+$0x1A7C0] =	vst v0;
	v2 =	vld [tilespmem:s31+$0x187E0]  }
0x60: {  	v0 =	vld.idx.msk [tilespmem:v1+s5+$0x0], $0xffff;
	_ =	sdelay $0x5  }
0x61: {  	[tilespmem:s31+$0x1A7D0] =	vst v0;
	v0 =	vld [tilespmem:s31+$0x187F0]  }
0x62: {  	v1 =	vld.idx.msk [tilespmem:v2+s5+$0x0], $0xffff  }
.Ltmp0:
0x63: {  	(pc) =	sbr.rel @p1 .LBB2_3-.Ltmp0, $2  }
0x64: {  	_ =	sdelay $0x2  }
0x65: {  	s0 =	sshra.s32 s2, $0x2;
	s2 =	sadd.s32 $0x400, s2  }
0x66: {  	_ =	sdelay $0x1  }
0x67: {  	v2 =	vld [tilespmem:s0+$0x18700]  }
0x68: {  	[tilespmem:s31+$0x1A7E0] =	vst v1  }
0x69: {  	v0 =	vld.idx.msk [tilespmem:v0+s5+$0x0], $0xffff;
	_ =	sdelay $0x3  }
0x6a: {  	v1 =	vld [tilespmem:s0+$0x18710]  }
0x6b: {  	[tilespmem:s31+$0x1A7F0] =	vst v0  }
0x6c: {  	v0 =	vld.idx.msk [tilespmem:v2+s5+$0x0], $0xffff;
	_ =	sdelay $0x4  }
0x6d: {  	[tilespmem:s0+$0x1A700] =	vst v0;
	v0 =	vld [tilespmem:s0+$0x18720]  }
0x6e: {  	v1 =	vld.idx.msk [tilespmem:v1+s5+$0x0], $0xffff;
	_ =	sdelay $0x4  }
0x6f: {  	[tilespmem:s0+$0x1A710] =	vst v1;
	v1 =	vld [tilespmem:s0+$0x18730];
	_ =	sdelay $0x1  }
0x70: {  	v0 =	vld.idx.msk [tilespmem:v0+s5+$0x0], $0xffff;
	_ =	sdelay $0x4  }
0x71: {  	[tilespmem:s0+$0x1A720] =	vst v0;
	v0 =	vld [tilespmem:s0+$0x18740]  }
0x72: {  	v1 =	vld.idx.msk [tilespmem:v1+s5+$0x0], $0xffff;
	_ =	sdelay $0x4  }
0x73: {  	[tilespmem:s0+$0x1A730] =	vst v1;
	v1 =	vld [tilespmem:s0+$0x18750];
	_ =	sdelay $0x1  }
0x74: {  	v0 =	vld.idx.msk [tilespmem:v0+s5+$0x0], $0xffff;
	_ =	sdelay $0x4  }
0x75: {  	[tilespmem:s0+$0x1A740] =	vst v0;
	v0 =	vld [tilespmem:s0+$0x18760]  }
0x76: {  	v1 =	vld.idx.msk [tilespmem:v1+s5+$0x0], $0xffff;
	_ =	sdelay $0x4  }
0x77: {  	[tilespmem:s0+$0x1A750] =	vst v1;
	v1 =	vld [tilespmem:s0+$0x18770];
	_ =	sdelay $0x1  }
0x78: {  	v0 =	vld.idx.msk [tilespmem:v0+s5+$0x0], $0xffff;
	_ =	sdelay $0x4  }
0x79: {  	[tilespmem:s0+$0x1A760] =	vst v0;
	v0 =	vld [tilespmem:s0+$0x18780]  }
0x7a: {  	v1 =	vld.idx.msk [tilespmem:v1+s5+$0x0], $0xffff;
	_ =	sdelay $0x4  }
0x7b: {  	[tilespmem:s0+$0x1A770] =	vst v1;
	v1 =	vld [tilespmem:s0+$0x18790];
	_ =	sdelay $0x1  }
0x7c: {  	v0 =	vld.idx.msk [tilespmem:v0+s5+$0x0], $0xffff;
	_ =	sdelay $0x4  }
0x7d: {  	[tilespmem:s0+$0x1A780] =	vst v0;
	v0 =	vld [tilespmem:s0+$0x187A0]  }
0x7e: {  	v1 =	vld.idx.msk [tilespmem:v1+s5+$0x0], $0xffff;
	_ =	sdelay $0x4  }
0x7f: {  	[tilespmem:s0+$0x1A790] =	vst v1;
	v1 =	vld [tilespmem:s0+$0x187B0];
	_ =	sdelay $0x1  }
0x80: {  	v0 =	vld.idx.msk [tilespmem:v0+s5+$0x0], $0xffff;
	_ =	sdelay $0x4  }
0x81: {  	[tilespmem:s0+$0x1A7A0] =	vst v0;
	v0 =	vld [tilespmem:s0+$0x187C0]  }
0x82: {  	v1 =	vld.idx.msk [tilespmem:v1+s5+$0x0], $0xffff;
	_ =	sdelay $0x4  }
0x83: {  	[tilespmem:s0+$0x1A7B0] =	vst v1;
	v1 =	vld [tilespmem:s0+$0x187D0];
	_ =	sdelay $0x1  }
0x84: {  	v0 =	vld.idx.msk [tilespmem:v0+s5+$0x0], $0xffff;
	_ =	sdelay $0x4  }
0x85: {  	[tilespmem:s0+$0x1A7C0] =	vst v0;
	v0 =	vld [tilespmem:s0+$0x187E0]  }
0x86: {  	v1 =	vld.idx.msk [tilespmem:v1+s5+$0x0], $0xffff;
	_ =	sdelay $0x4  }
0x87: {  	[tilespmem:s0+$0x1A7D0] =	vst v1;
	v1 =	vld [tilespmem:s0+$0x187F0];
	_ =	sdelay $0x1  }
0x88: {  	v0 =	vld.idx.msk [tilespmem:v0+s5+$0x0], $0xffff;
	_ =	sdelay $0x4  }
0x89: {  	[tilespmem:s0+$0x1A7E0] =	vst v0  }
0x8a: {  	v0 =	vld.idx.msk [tilespmem:v1+s5+$0x0], $0xffff;
	_ =	sdelay $0x1  }
0x8b: {  	s2 =	sshll.u32 s28, $0x11  }
0x8c: {  	s2 =	sor.u32 s30, s2  }
0x8d: {  	s28 =	sshrl.u32 s2, $0x3  }
0x8e: {  	s2 =	sadd.s32 s4, s28;
	[tilespmem:s0+$0x1A7F0] =	vst v0  }
0x8f: {  	[hbm4b:s2+s15] =	stream.strided.scatter [tilespmem:s21], [sflag:$0x2], $0x1000, s16, s15, $0x38;
	[tilespmem:$0x1C700] =	vst v63  }
0x90: {  	_ =	swait.ge [sflag:s19], $0x1000  }
0x91: {  	[sflag:s19] =	ssyncset.done $0x0  }
0x92: {  	s31 =	sadd.s32 s29, s9;
	s0 =	simm.s32 @!p0 $0x2;
	[sflag:s19] =	ssyncadd.s32 $0xFFFFF000  }
0x93: {  	[tilespmem:s17], [sflag:$0x1] =	stream.strided.gather [hbm4b:s31+s15], $0x1000, s16, s15, $0x38;
	[tilespmem:$0x1C700] =	vst v63  }
0x94: {  	_ =	swait.ge @!p0 [sflag:s0], $0x1000  }
0x95: {  	[sflag:s0] =	ssyncset.done @!p0 $0x0  }
0x96: {  	s30 =	simm.s32 $0x0;
	[sflag:s0] =	ssyncadd.s32 @!p0 $0xFFFFF000  }
0x97: {  	v0 =	vld [tilespmem:s30+$0x19700];
	_ =	sdelay $0x5  }
0x98: {  	v1 =	vld [tilespmem:s30+$0x19710];
	_ =	sdelay $0x1  }
0x99: {  	v0 =	vld.idx.msk [tilespmem:v0+s5+$0x0], $0xffff;
	_ =	sdelay $0x4  }
0x9a: {  	[tilespmem:s30+$0x1B700] =	vst v0;
	v0 =	vld [tilespmem:s30+$0x19720]  }
0x9b: {  	v1 =	vld.idx.msk [tilespmem:v1+s5+$0x0], $0xffff;
	_ =	sdelay $0x4  }
0x9c: {  	[tilespmem:s30+$0x1B710] =	vst v1;
	v1 =	vld [tilespmem:s30+$0x19730];
	_ =	sdelay $0x1  }
0x9d: {  	v0 =	vld.idx.msk [tilespmem:v0+s5+$0x0], $0xffff;
	_ =	sdelay $0x4  }
0x9e: {  	[tilespmem:s30+$0x1B720] =	vst v0;
	v0 =	vld [tilespmem:s30+$0x19740]  }
0x9f: {  	v1 =	vld.idx.msk [tilespmem:v1+s5+$0x0], $0xffff;
	_ =	sdelay $0x4  }
0xa0: {  	[tilespmem:s30+$0x1B730] =	vst v1;
	v1 =	vld [tilespmem:s30+$0x19750];
	_ =	sdelay $0x1  }
0xa1: {  	v0 =	vld.idx.msk [tilespmem:v0+s5+$0x0], $0xffff;
	_ =	sdelay $0x4  }
0xa2: {  	[tilespmem:s30+$0x1B740] =	vst v0;
	v0 =	vld [tilespmem:s30+$0x19760]  }
0xa3: {  	v1 =	vld.idx.msk [tilespmem:v1+s5+$0x0], $0xffff;
	_ =	sdelay $0x4  }
0xa4: {  	[tilespmem:s30+$0x1B750] =	vst v1;
	v1 =	vld [tilespmem:s30+$0x19770];
	_ =	sdelay $0x1  }
0xa5: {  	v0 =	vld.idx.msk [tilespmem:v0+s5+$0x0], $0xffff;
	_ =	sdelay $0x4  }
0xa6: {  	[tilespmem:s30+$0x1B760] =	vst v0;
	v0 =	vld [tilespmem:s30+$0x19780]  }
0xa7: {  	v1 =	vld.idx.msk [tilespmem:v1+s5+$0x0], $0xffff;
	_ =	sdelay $0x4  }
0xa8: {  	[tilespmem:s30+$0x1B770] =	vst v1;
	v1 =	vld [tilespmem:s30+$0x19790];
	_ =	sdelay $0x1  }
0xa9: {  	v0 =	vld.idx.msk [tilespmem:v0+s5+$0x0], $0xffff;
	_ =	sdelay $0x4  }
0xaa: {  	[tilespmem:s30+$0x1B780] =	vst v0;
	v0 =	vld [tilespmem:s30+$0x197A0]  }
0xab: {  	v1 =	vld.idx.msk [tilespmem:v1+s5+$0x0], $0xffff;
	_ =	sdelay $0x4  }
0xac: {  	[tilespmem:s30+$0x1B790] =	vst v1;
	v1 =	vld [tilespmem:s30+$0x197B0];
	_ =	sdelay $0x1  }
0xad: {  	v0 =	vld.idx.msk [tilespmem:v0+s5+$0x0], $0xffff;
	_ =	sdelay $0x4  }
0xae: {  	[tilespmem:s30+$0x1B7A0] =	vst v0;
	v0 =	vld [tilespmem:s30+$0x197C0]  }
0xaf: {  	v1 =	vld.idx.msk [tilespmem:v1+s5+$0x0], $0xffff;
	_ =	sdelay $0x4  }
0xb0: {  	[tilespmem:s30+$0x1B7B0] =	vst v1;
	v1 =	vld [tilespmem:s30+$0x197D0];
	_ =	sdelay $0x1  }
0xb1: {  	v0 =	vld.idx.msk [tilespmem:v0+s5+$0x0], $0xffff;
	_ =	sdelay $0x4  }
0xb2: {  	v2 =	vld [tilespmem:s30+$0x197E0];
	[tilespmem:s30+$0x1B7C0] =	vst v0  }
0xb3: {  	v0 =	vld.idx.msk [tilespmem:v1+s5+$0x0], $0xffff;
	_ =	sdelay $0x4  }
0xb4: {  	[tilespmem:s30+$0x1B7D0] =	vst v0;
	v0 =	vld [tilespmem:s30+$0x197F0];
	_ =	sdelay $0x1  }
0xb5: {  	v1 =	vld.idx.msk [tilespmem:v2+s5+$0x0], $0xffff;
	_ =	sdelay $0x3  }
0xb6: {  	s2 =	simm.s32 $0x800;
	s0 =	simm.s32 $0x100  }
.LBB2_5:
0xb7: {  	p0 =	sne.s32 s2, $0x3C00;
	v2 =	vld [tilespmem:s0+$0x19700];
	[tilespmem:s30+$0x1B7E0] =	vst v1  }
0xb8: {  	v0 =	vld.idx.msk [tilespmem:v0+s5+$0x0], $0xffff;
	_ =	sdelay $0x5  }
0xb9: {  	v1 =	vld [tilespmem:s0+$0x19710];
	[tilespmem:s30+$0x1B7F0] =	vst v0;
	s30 =	smov.u32 s0  }
0xba: {  	v0 =	vld.idx.msk [tilespmem:v2+s5+$0x0], $0xffff;
	_ =	sdelay $0x5  }
0xbb: {  	[tilespmem:s30+$0x1B700] =	vst v0;
	v0 =	vld [tilespmem:s30+$0x19720]  }
0xbc: {  	v1 =	vld.idx.msk [tilespmem:v1+s5+$0x0], $0xffff;
	_ =	sdelay $0x5  }
0xbd: {  	[tilespmem:s30+$0x1B710] =	vst v1;
	v1 =	vld [tilespmem:s30+$0x19730]  }
0xbe: {  	v0 =	vld.idx.msk [tilespmem:v0+s5+$0x0], $0xffff;
	_ =	sdelay $0x5  }
0xbf: {  	[tilespmem:s30+$0x1B720] =	vst v0;
	v0 =	vld [tilespmem:s30+$0x19740]  }
0xc0: {  	v1 =	vld.idx.msk [tilespmem:v1+s5+$0x0], $0xffff;
	_ =	sdelay $0x5  }
0xc1: {  	[tilespmem:s30+$0x1B730] =	vst v1;
	v1 =	vld [tilespmem:s30+$0x19750]  }
0xc2: {  	v0 =	vld.idx.msk [tilespmem:v0+s5+$0x0], $0xffff;
	_ =	sdelay $0x5  }
0xc3: {  	[tilespmem:s30+$0x1B740] =	vst v0;
	v0 =	vld [tilespmem:s30+$0x19760]  }
0xc4: {  	v1 =	vld.idx.msk [tilespmem:v1+s5+$0x0], $0xffff;
	_ =	sdelay $0x5  }
0xc5: {  	[tilespmem:s30+$0x1B750] =	vst v1;
	v1 =	vld [tilespmem:s30+$0x19770]  }
0xc6: {  	v0 =	vld.idx.msk [tilespmem:v0+s5+$0x0], $0xffff;
	_ =	sdelay $0x5  }
0xc7: {  	[tilespmem:s30+$0x1B760] =	vst v0;
	v0 =	vld [tilespmem:s30+$0x19780]  }
0xc8: {  	v1 =	vld.idx.msk [tilespmem:v1+s5+$0x0], $0xffff;
	_ =	sdelay $0x5  }
0xc9: {  	[tilespmem:s30+$0x1B770] =	vst v1;
	v1 =	vld [tilespmem:s30+$0x19790]  }
0xca: {  	v0 =	vld.idx.msk [tilespmem:v0+s5+$0x0], $0xffff;
	_ =	sdelay $0x5  }
0xcb: {  	[tilespmem:s30+$0x1B780] =	vst v0;
	v0 =	vld [tilespmem:s30+$0x197A0]  }
0xcc: {  	v1 =	vld.idx.msk [tilespmem:v1+s5+$0x0], $0xffff;
	_ =	sdelay $0x5  }
0xcd: {  	[tilespmem:s30+$0x1B790] =	vst v1;
	v1 =	vld [tilespmem:s30+$0x197B0]  }
0xce: {  	v0 =	vld.idx.msk [tilespmem:v0+s5+$0x0], $0xffff;
	_ =	sdelay $0x5  }
0xcf: {  	[tilespmem:s30+$0x1B7A0] =	vst v0;
	v0 =	vld [tilespmem:s30+$0x197C0]  }
0xd0: {  	v1 =	vld.idx.msk [tilespmem:v1+s5+$0x0], $0xffff;
	_ =	sdelay $0x5  }
0xd1: {  	[tilespmem:s30+$0x1B7B0] =	vst v1;
	v1 =	vld [tilespmem:s30+$0x197D0]  }
0xd2: {  	v0 =	vld.idx.msk [tilespmem:v0+s5+$0x0], $0xffff;
	_ =	sdelay $0x5  }
0xd3: {  	[tilespmem:s30+$0x1B7C0] =	vst v0;
	v2 =	vld [tilespmem:s30+$0x197E0]  }
0xd4: {  	v0 =	vld.idx.msk [tilespmem:v1+s5+$0x0], $0xffff;
	_ =	sdelay $0x5  }
0xd5: {  	[tilespmem:s30+$0x1B7D0] =	vst v0;
	v0 =	vld [tilespmem:s30+$0x197F0]  }
0xd6: {  	v1 =	vld.idx.msk [tilespmem:v2+s5+$0x0], $0xffff  }
.Ltmp1:
0xd7: {  	(pc) =	sbr.rel @p0 .LBB2_5-.Ltmp1, $2  }
0xd8: {  	_ =	sdelay $0x2  }
0xd9: {  	s0 =	sshra.s32 s2, $0x2;
	s2 =	sadd.s32 $0x400, s2  }
0xda: {  	_ =	sdelay $0x1  }
0xdb: {  	v2 =	vld [tilespmem:s0+$0x19700]  }
0xdc: {  	[tilespmem:s30+$0x1B7E0] =	vst v1  }
0xdd: {  	v0 =	vld.idx.msk [tilespmem:v0+s5+$0x0], $0xffff;
	_ =	sdelay $0x3  }
0xde: {  	v1 =	vld [tilespmem:s0+$0x19710]  }
0xdf: {  	[tilespmem:s30+$0x1B7F0] =	vst v0  }
0xe0: {  	v0 =	vld.idx.msk [tilespmem:v2+s5+$0x0], $0xffff;
	_ =	sdelay $0x4  }
0xe1: {  	[tilespmem:s0+$0x1B700] =	vst v0;
	v0 =	vld [tilespmem:s0+$0x19720]  }
0xe2: {  	v1 =	vld.idx.msk [tilespmem:v1+s5+$0x0], $0xffff;
	_ =	sdelay $0x4  }
0xe3: {  	[tilespmem:s0+$0x1B710] =	vst v1;
	v1 =	vld [tilespmem:s0+$0x19730];
	_ =	sdelay $0x1  }
0xe4: {  	v0 =	vld.idx.msk [tilespmem:v0+s5+$0x0], $0xffff;
	_ =	sdelay $0x4  }
0xe5: {  	[tilespmem:s0+$0x1B720] =	vst v0;
	v0 =	vld [tilespmem:s0+$0x19740]  }
0xe6: {  	v1 =	vld.idx.msk [tilespmem:v1+s5+$0x0], $0xffff;
	_ =	sdelay $0x4  }
0xe7: {  	[tilespmem:s0+$0x1B730] =	vst v1;
	v1 =	vld [tilespmem:s0+$0x19750];
	_ =	sdelay $0x1  }
0xe8: {  	v0 =	vld.idx.msk [tilespmem:v0+s5+$0x0], $0xffff;
	_ =	sdelay $0x4  }
0xe9: {  	[tilespmem:s0+$0x1B740] =	vst v0;
	v0 =	vld [tilespmem:s0+$0x19760]  }
0xea: {  	v1 =	vld.idx.msk [tilespmem:v1+s5+$0x0], $0xffff;
	_ =	sdelay $0x4  }
0xeb: {  	[tilespmem:s0+$0x1B750] =	vst v1;
	v1 =	vld [tilespmem:s0+$0x19770];
	_ =	sdelay $0x1  }
0xec: {  	v0 =	vld.idx.msk [tilespmem:v0+s5+$0x0], $0xffff;
	_ =	sdelay $0x4  }
0xed: {  	[tilespmem:s0+$0x1B760] =	vst v0;
	v0 =	vld [tilespmem:s0+$0x19780]  }
0xee: {  	v1 =	vld.idx.msk [tilespmem:v1+s5+$0x0], $0xffff;
	_ =	sdelay $0x4  }
0xef: {  	[tilespmem:s0+$0x1B770] =	vst v1;
	v1 =	vld [tilespmem:s0+$0x19790];
	_ =	sdelay $0x1  }
0xf0: {  	v0 =	vld.idx.msk [tilespmem:v0+s5+$0x0], $0xffff;
	_ =	sdelay $0x4  }
0xf1: {  	[tilespmem:s0+$0x1B780] =	vst v0;
	v0 =	vld [tilespmem:s0+$0x197A0]  }
0xf2: {  	v1 =	vld.idx.msk [tilespmem:v1+s5+$0x0], $0xffff;
	_ =	sdelay $0x4  }
0xf3: {  	[tilespmem:s0+$0x1B790] =	vst v1;
	v1 =	vld [tilespmem:s0+$0x197B0];
	_ =	sdelay $0x1  }
0xf4: {  	v0 =	vld.idx.msk [tilespmem:v0+s5+$0x0], $0xffff;
	_ =	sdelay $0x4  }
0xf5: {  	[tilespmem:s0+$0x1B7A0] =	vst v0;
	v0 =	vld [tilespmem:s0+$0x197C0]  }
0xf6: {  	v1 =	vld.idx.msk [tilespmem:v1+s5+$0x0], $0xffff;
	_ =	sdelay $0x4  }
0xf7: {  	[tilespmem:s0+$0x1B7B0] =	vst v1;
	v1 =	vld [tilespmem:s0+$0x197D0];
	_ =	sdelay $0x1  }
0xf8: {  	v0 =	vld.idx.msk [tilespmem:v0+s5+$0x0], $0xffff;
	_ =	sdelay $0x4  }
0xf9: {  	[tilespmem:s0+$0x1B7C0] =	vst v0;
	v0 =	vld [tilespmem:s0+$0x197E0]  }
0xfa: {  	v1 =	vld.idx.msk [tilespmem:v1+s5+$0x0], $0xffff;
	_ =	sdelay $0x4  }
0xfb: {  	[tilespmem:s0+$0x1B7D0] =	vst v1;
	v1 =	vld [tilespmem:s0+$0x197F0];
	_ =	sdelay $0x1  }
0xfc: {  	v0 =	vld.idx.msk [tilespmem:v0+s5+$0x0], $0xffff;
	_ =	sdelay $0x4  }
0xfd: {  	[tilespmem:s0+$0x1B7E0] =	vst v0  }
0xfe: {  	v0 =	vld.idx.msk [tilespmem:v1+s5+$0x0], $0xffff;
	_ =	sdelay $0x4  }
0xff: {  	s30 =	sadd.s32 s28, s10;
	[tilespmem:s0+$0x1B7F0] =	vst v0  }
0x100: {  	[hbm4b:s30+s15] =	stream.strided.scatter [tilespmem:s22], [sflag:$0x2], $0x1000, s16, s15, $0x38;
	[tilespmem:$0x1C700] =	vst v63  }
0x101: {  	_ =	swait.ge [sflag:s19], $0x1000  }
0x102: {  	[sflag:s19] =	ssyncset.done $0x0  }
0x103: {  	s31 =	sadd.s32 s29, s11;
	[sflag:s19] =	ssyncadd.s32 $0xFFFFF000  }
0x104: {  	[tilespmem:s20], [sflag:$0x1] =	stream.strided.gather [hbm4b:s31+s15], $0x1000, s16, s15, $0x38;
	[tilespmem:$0x1C700] =	vst v63  }
0x105: {  	_ =	swait.ge [sflag:s23], $0x1000  }
0x106: {  	[sflag:s23] =	ssyncset.done $0x0  }
0x107: {  	s29 =	simm.s32 $0x0;
	[sflag:s23] =	ssyncadd.s32 $0xFFFFF000  }
0x108: {  	v0 =	vld [tilespmem:s29+$0x18700];
	_ =	sdelay $0x5  }
0x109: {  	v1 =	vld [tilespmem:s29+$0x18710];
	_ =	sdelay $0x1  }
0x10a: {  	v0 =	vld.idx.msk [tilespmem:v0+s5+$0x0], $0xffff;
	_ =	sdelay $0x4  }
0x10b: {  	[tilespmem:s29+$0x1A700] =	vst v0;
	v0 =	vld [tilespmem:s29+$0x18720]  }
0x10c: {  	v1 =	vld.idx.msk [tilespmem:v1+s5+$0x0], $0xffff;
	_ =	sdelay $0x4  }
0x10d: {  	[tilespmem:s29+$0x1A710] =	vst v1;
	v1 =	vld [tilespmem:s29+$0x18730];
	_ =	sdelay $0x1  }
0x10e: {  	v0 =	vld.idx.msk [tilespmem:v0+s5+$0x0], $0xffff;
	_ =	sdelay $0x4  }
0x10f: {  	[tilespmem:s29+$0x1A720] =	vst v0;
	v0 =	vld [tilespmem:s29+$0x18740]  }
0x110: {  	v1 =	vld.idx.msk [tilespmem:v1+s5+$0x0], $0xffff;
	_ =	sdelay $0x4  }
0x111: {  	[tilespmem:s29+$0x1A730] =	vst v1;
	v1 =	vld [tilespmem:s29+$0x18750];
	_ =	sdelay $0x1  }
0x112: {  	v0 =	vld.idx.msk [tilespmem:v0+s5+$0x0], $0xffff;
	_ =	sdelay $0x4  }
0x113: {  	[tilespmem:s29+$0x1A740] =	vst v0;
	v0 =	vld [tilespmem:s29+$0x18760]  }
0x114: {  	v1 =	vld.idx.msk [tilespmem:v1+s5+$0x0], $0xffff;
	_ =	sdelay $0x4  }
0x115: {  	[tilespmem:s29+$0x1A750] =	vst v1;
	v1 =	vld [tilespmem:s29+$0x18770];
	_ =	sdelay $0x1  }
0x116: {  	v0 =	vld.idx.msk [tilespmem:v0+s5+$0x0], $0xffff;
	_ =	sdelay $0x4  }
0x117: {  	[tilespmem:s29+$0x1A760] =	vst v0;
	v0 =	vld [tilespmem:s29+$0x18780]  }
0x118: {  	v1 =	vld.idx.msk [tilespmem:v1+s5+$0x0], $0xffff;
	_ =	sdelay $0x4  }
0x119: {  	[tilespmem:s29+$0x1A770] =	vst v1;
	v1 =	vld [tilespmem:s29+$0x18790];
	_ =	sdelay $0x1  }
0x11a: {  	v0 =	vld.idx.msk [tilespmem:v0+s5+$0x0], $0xffff;
	_ =	sdelay $0x4  }
0x11b: {  	[tilespmem:s29+$0x1A780] =	vst v0;
	v0 =	vld [tilespmem:s29+$0x187A0]  }
0x11c: {  	v1 =	vld.idx.msk [tilespmem:v1+s5+$0x0], $0xffff;
	_ =	sdelay $0x4  }
0x11d: {  	[tilespmem:s29+$0x1A790] =	vst v1;
	v1 =	vld [tilespmem:s29+$0x187B0];
	_ =	sdelay $0x1  }
0x11e: {  	v0 =	vld.idx.msk [tilespmem:v0+s5+$0x0], $0xffff;
	_ =	sdelay $0x4  }
0x11f: {  	[tilespmem:s29+$0x1A7A0] =	vst v0;
	v0 =	vld [tilespmem:s29+$0x187C0]  }
0x120: {  	v1 =	vld.idx.msk [tilespmem:v1+s5+$0x0], $0xffff;
	_ =	sdelay $0x4  }
0x121: {  	[tilespmem:s29+$0x1A7B0] =	vst v1;
	v1 =	vld [tilespmem:s29+$0x187D0];
	_ =	sdelay $0x1  }
0x122: {  	v0 =	vld.idx.msk [tilespmem:v0+s5+$0x0], $0xffff;
	_ =	sdelay $0x4  }
0x123: {  	v2 =	vld [tilespmem:s29+$0x187E0];
	[tilespmem:s29+$0x1A7C0] =	vst v0  }
0x124: {  	v0 =	vld.idx.msk [tilespmem:v1+s5+$0x0], $0xffff;
	_ =	sdelay $0x4  }
0x125: {  	[tilespmem:s29+$0x1A7D0] =	vst v0;
	v0 =	vld [tilespmem:s29+$0x187F0];
	_ =	sdelay $0x1  }
0x126: {  	v1 =	vld.idx.msk [tilespmem:v2+s5+$0x0], $0xffff;
	_ =	sdelay $0x3  }
0x127: {  	s2 =	simm.s32 $0x800;
	s0 =	simm.s32 $0x100  }
.LBB2_7:
0x128: {  	p0 =	sne.s32 s2, $0x3C00;
	v2 =	vld [tilespmem:s0+$0x18700];
	[tilespmem:s29+$0x1A7E0] =	vst v1  }
0x129: {  	v0 =	vld.idx.msk [tilespmem:v0+s5+$0x0], $0xffff;
	_ =	sdelay $0x5  }
0x12a: {  	v1 =	vld [tilespmem:s0+$0x18710];
	[tilespmem:s29+$0x1A7F0] =	vst v0;
	s29 =	smov.u32 s0  }
0x12b: {  	v0 =	vld.idx.msk [tilespmem:v2+s5+$0x0], $0xffff;
	_ =	sdelay $0x5  }
0x12c: {  	[tilespmem:s29+$0x1A700] =	vst v0;
	v0 =	vld [tilespmem:s29+$0x18720]  }
0x12d: {  	v1 =	vld.idx.msk [tilespmem:v1+s5+$0x0], $0xffff;
	_ =	sdelay $0x5  }
0x12e: {  	[tilespmem:s29+$0x1A710] =	vst v1;
	v1 =	vld [tilespmem:s29+$0x18730]  }
0x12f: {  	v0 =	vld.idx.msk [tilespmem:v0+s5+$0x0], $0xffff;
	_ =	sdelay $0x5  }
0x130: {  	[tilespmem:s29+$0x1A720] =	vst v0;
	v0 =	vld [tilespmem:s29+$0x18740]  }
0x131: {  	v1 =	vld.idx.msk [tilespmem:v1+s5+$0x0], $0xffff;
	_ =	sdelay $0x5  }
0x132: {  	[tilespmem:s29+$0x1A730] =	vst v1;
	v1 =	vld [tilespmem:s29+$0x18750]  }
0x133: {  	v0 =	vld.idx.msk [tilespmem:v0+s5+$0x0], $0xffff;
	_ =	sdelay $0x5  }
0x134: {  	[tilespmem:s29+$0x1A740] =	vst v0;
	v0 =	vld [tilespmem:s29+$0x18760]  }
0x135: {  	v1 =	vld.idx.msk [tilespmem:v1+s5+$0x0], $0xffff;
	_ =	sdelay $0x5  }
0x136: {  	[tilespmem:s29+$0x1A750] =	vst v1;
	v1 =	vld [tilespmem:s29+$0x18770]  }
0x137: {  	v0 =	vld.idx.msk [tilespmem:v0+s5+$0x0], $0xffff;
	_ =	sdelay $0x5  }
0x138: {  	[tilespmem:s29+$0x1A760] =	vst v0;
	v0 =	vld [tilespmem:s29+$0x18780]  }
0x139: {  	v1 =	vld.idx.msk [tilespmem:v1+s5+$0x0], $0xffff;
	_ =	sdelay $0x5  }
0x13a: {  	[tilespmem:s29+$0x1A770] =	vst v1;
	v1 =	vld [tilespmem:s29+$0x18790]  }
0x13b: {  	v0 =	vld.idx.msk [tilespmem:v0+s5+$0x0], $0xffff;
	_ =	sdelay $0x5  }
0x13c: {  	[tilespmem:s29+$0x1A780] =	vst v0;
	v0 =	vld [tilespmem:s29+$0x187A0]  }
0x13d: {  	v1 =	vld.idx.msk [tilespmem:v1+s5+$0x0], $0xffff;
	_ =	sdelay $0x5  }
0x13e: {  	[tilespmem:s29+$0x1A790] =	vst v1;
	v1 =	vld [tilespmem:s29+$0x187B0]  }
0x13f: {  	v0 =	vld.idx.msk [tilespmem:v0+s5+$0x0], $0xffff;
	_ =	sdelay $0x5  }
0x140: {  	[tilespmem:s29+$0x1A7A0] =	vst v0;
	v0 =	vld [tilespmem:s29+$0x187C0]  }
0x141: {  	v1 =	vld.idx.msk [tilespmem:v1+s5+$0x0], $0xffff;
	_ =	sdelay $0x5  }
0x142: {  	[tilespmem:s29+$0x1A7B0] =	vst v1;
	v1 =	vld [tilespmem:s29+$0x187D0]  }
0x143: {  	v0 =	vld.idx.msk [tilespmem:v0+s5+$0x0], $0xffff;
	_ =	sdelay $0x5  }
0x144: {  	[tilespmem:s29+$0x1A7C0] =	vst v0;
	v2 =	vld [tilespmem:s29+$0x187E0]  }
0x145: {  	v0 =	vld.idx.msk [tilespmem:v1+s5+$0x0], $0xffff;
	_ =	sdelay $0x5  }
0x146: {  	[tilespmem:s29+$0x1A7D0] =	vst v0;
	v0 =	vld [tilespmem:s29+$0x187F0]  }
0x147: {  	v1 =	vld.idx.msk [tilespmem:v2+s5+$0x0], $0xffff  }
.Ltmp2:
0x148: {  	(pc) =	sbr.rel @p0 .LBB2_7-.Ltmp2, $2  }
0x149: {  	_ =	sdelay $0x2  }
0x14a: {  	s0 =	sshra.s32 s2, $0x2;
	s2 =	sadd.s32 $0x400, s2  }
0x14b: {  	_ =	sdelay $0x1  }
0x14c: {  	v2 =	vld [tilespmem:s0+$0x18700]  }
0x14d: {  	[tilespmem:s29+$0x1A7E0] =	vst v1  }
0x14e: {  	v0 =	vld.idx.msk [tilespmem:v0+s5+$0x0], $0xffff;
	_ =	sdelay $0x3  }
0x14f: {  	v1 =	vld [tilespmem:s0+$0x18710]  }
0x150: {  	[tilespmem:s29+$0x1A7F0] =	vst v0  }
0x151: {  	v0 =	vld.idx.msk [tilespmem:v2+s5+$0x0], $0xffff;
	_ =	sdelay $0x4  }
0x152: {  	[tilespmem:s0+$0x1A700] =	vst v0;
	v0 =	vld [tilespmem:s0+$0x18720]  }
0x153: {  	v1 =	vld.idx.msk [tilespmem:v1+s5+$0x0], $0xffff;
	_ =	sdelay $0x4  }
0x154: {  	[tilespmem:s0+$0x1A710] =	vst v1;
	v1 =	vld [tilespmem:s0+$0x18730];
	_ =	sdelay $0x1  }
0x155: {  	v0 =	vld.idx.msk [tilespmem:v0+s5+$0x0], $0xffff;
	_ =	sdelay $0x4  }
0x156: {  	[tilespmem:s0+$0x1A720] =	vst v0;
	v0 =	vld [tilespmem:s0+$0x18740]  }
0x157: {  	v1 =	vld.idx.msk [tilespmem:v1+s5+$0x0], $0xffff;
	_ =	sdelay $0x4  }
0x158: {  	[tilespmem:s0+$0x1A730] =	vst v1;
	v1 =	vld [tilespmem:s0+$0x18750];
	_ =	sdelay $0x1  }
0x159: {  	v0 =	vld.idx.msk [tilespmem:v0+s5+$0x0], $0xffff;
	_ =	sdelay $0x4  }
0x15a: {  	[tilespmem:s0+$0x1A740] =	vst v0;
	v0 =	vld [tilespmem:s0+$0x18760]  }
0x15b: {  	v1 =	vld.idx.msk [tilespmem:v1+s5+$0x0], $0xffff;
	_ =	sdelay $0x4  }
0x15c: {  	[tilespmem:s0+$0x1A750] =	vst v1;
	v1 =	vld [tilespmem:s0+$0x18770];
	_ =	sdelay $0x1  }
0x15d: {  	v0 =	vld.idx.msk [tilespmem:v0+s5+$0x0], $0xffff;
	_ =	sdelay $0x4  }
0x15e: {  	[tilespmem:s0+$0x1A760] =	vst v0;
	v0 =	vld [tilespmem:s0+$0x18780]  }
0x15f: {  	v1 =	vld.idx.msk [tilespmem:v1+s5+$0x0], $0xffff;
	_ =	sdelay $0x4  }
0x160: {  	[tilespmem:s0+$0x1A770] =	vst v1;
	v1 =	vld [tilespmem:s0+$0x18790];
	_ =	sdelay $0x1  }
0x161: {  	v0 =	vld.idx.msk [tilespmem:v0+s5+$0x0], $0xffff;
	_ =	sdelay $0x4  }
0x162: {  	[tilespmem:s0+$0x1A780] =	vst v0;
	v0 =	vld [tilespmem:s0+$0x187A0]  }
0x163: {  	v1 =	vld.idx.msk [tilespmem:v1+s5+$0x0], $0xffff;
	_ =	sdelay $0x4  }
0x164: {  	[tilespmem:s0+$0x1A790] =	vst v1;
	v1 =	vld [tilespmem:s0+$0x187B0];
	_ =	sdelay $0x1  }
0x165: {  	v0 =	vld.idx.msk [tilespmem:v0+s5+$0x0], $0xffff;
	_ =	sdelay $0x4  }
0x166: {  	[tilespmem:s0+$0x1A7A0] =	vst v0;
	v0 =	vld [tilespmem:s0+$0x187C0]  }
0x167: {  	v1 =	vld.idx.msk [tilespmem:v1+s5+$0x0], $0xffff;
	_ =	sdelay $0x4  }
0x168: {  	[tilespmem:s0+$0x1A7B0] =	vst v1;
	v1 =	vld [tilespmem:s0+$0x187D0];
	_ =	sdelay $0x1  }
0x169: {  	v0 =	vld.idx.msk [tilespmem:v0+s5+$0x0], $0xffff;
	_ =	sdelay $0x4  }
0x16a: {  	[tilespmem:s0+$0x1A7C0] =	vst v0;
	v0 =	vld [tilespmem:s0+$0x187E0]  }
0x16b: {  	v1 =	vld.idx.msk [tilespmem:v1+s5+$0x0], $0xffff;
	_ =	sdelay $0x4  }
0x16c: {  	[tilespmem:s0+$0x1A7D0] =	vst v1;
	v1 =	vld [tilespmem:s0+$0x187F0];
	_ =	sdelay $0x1  }
0x16d: {  	v0 =	vld.idx.msk [tilespmem:v0+s5+$0x0], $0xffff;
	_ =	sdelay $0x4  }
0x16e: {  	[tilespmem:s0+$0x1A7E0] =	vst v0  }
0x16f: {  	v0 =	vld.idx.msk [tilespmem:v1+s5+$0x0], $0xffff;
	_ =	sdelay $0x3  }
0x170: {  	p0 =	seq.s32 s25, $0xC  }
0x171: {  	s31 =	sadd.s32 s28, s12;
	[tilespmem:s0+$0x1A7F0] =	vst v0;
	s0 =	sadd.s32 @!p0 $0x1, s26  }
0x172: {  	[hbm4b:s31+s15] =	stream.strided.scatter [tilespmem:s21], [sflag:$0x2], $0x1000, s16, s15, $0x38;
	[tilespmem:$0x1C700] =	vst v63  }
0x173: {  	s2 =	sshll.u32 @!p0 s0, $0xA;
	s0 =	sshll.u32 @!p0 s0, $0x3  }
0x174: {  	s2 =	sand.u32 @!p0 $0xFFFE0000, s2;
	s0 =	sand.u32 @!p0 $0x380, s0  }
0x175: {  	s29 =	simm.s32 @!p0 $0x18700;
	_ =	swait.ge [sflag:s19], $0x1000;
	s0 =	sor.u32 @!p0 s0, s2  }
0x176: {  	s26 =	simm.s32 @!p0 $0x400;
	[sflag:s19] =	ssyncset.done $0x0;
	s0 =	sshrl.u32 @!p0 s0, $0x3  }
0x177: {  	s2 =	simm.s32 @!p0 $0x80;
	[sflag:s19] =	ssyncadd.s32 $0xFFFFF000;
	s0 =	sadd.s32 @!p0 s3, s0  }
0x178: {  	[tilespmem:s29], [sflag:$0x1] =	stream.strided.gather @!p0 [hbm4b:s0+s2], $0x1000, s26, s2, $0x38;
	[tilespmem:$0x1C700] =	vst v63  }
0x179: {  	_ =	swait.ge [sflag:s23], $0x1000  }
0x17a: {  	[sflag:s23] =	ssyncset.done $0x0  }
0x17b: {  	s26 =	simm.s32 $0x0;
	[sflag:s23] =	ssyncadd.s32 $0xFFFFF000  }
0x17c: {  	v0 =	vld [tilespmem:s26+$0x19700];
	_ =	sdelay $0x5  }
0x17d: {  	v1 =	vld [tilespmem:s26+$0x19710];
	_ =	sdelay $0x1  }
0x17e: {  	v0 =	vld.idx.msk [tilespmem:v0+s5+$0x0], $0xffff;
	_ =	sdelay $0x4  }
0x17f: {  	[tilespmem:s26+$0x1B700] =	vst v0;
	v0 =	vld [tilespmem:s26+$0x19720]  }
0x180: {  	v1 =	vld.idx.msk [tilespmem:v1+s5+$0x0], $0xffff;
	_ =	sdelay $0x4  }
0x181: {  	[tilespmem:s26+$0x1B710] =	vst v1;
	v1 =	vld [tilespmem:s26+$0x19730];
	_ =	sdelay $0x1  }
0x182: {  	v0 =	vld.idx.msk [tilespmem:v0+s5+$0x0], $0xffff;
	_ =	sdelay $0x4  }
0x183: {  	[tilespmem:s26+$0x1B720] =	vst v0;
	v0 =	vld [tilespmem:s26+$0x19740]  }
0x184: {  	v1 =	vld.idx.msk [tilespmem:v1+s5+$0x0], $0xffff;
	_ =	sdelay $0x4  }
0x185: {  	[tilespmem:s26+$0x1B730] =	vst v1;
	v1 =	vld [tilespmem:s26+$0x19750];
	_ =	sdelay $0x1  }
0x186: {  	v0 =	vld.idx.msk [tilespmem:v0+s5+$0x0], $0xffff;
	_ =	sdelay $0x4  }
0x187: {  	[tilespmem:s26+$0x1B740] =	vst v0;
	v0 =	vld [tilespmem:s26+$0x19760]  }
0x188: {  	v1 =	vld.idx.msk [tilespmem:v1+s5+$0x0], $0xffff;
	_ =	sdelay $0x4  }
0x189: {  	[tilespmem:s26+$0x1B750] =	vst v1;
	v1 =	vld [tilespmem:s26+$0x19770];
	_ =	sdelay $0x1  }
0x18a: {  	v0 =	vld.idx.msk [tilespmem:v0+s5+$0x0], $0xffff;
	_ =	sdelay $0x4  }
0x18b: {  	[tilespmem:s26+$0x1B760] =	vst v0;
	v0 =	vld [tilespmem:s26+$0x19780]  }
0x18c: {  	v1 =	vld.idx.msk [tilespmem:v1+s5+$0x0], $0xffff;
	_ =	sdelay $0x4  }
0x18d: {  	[tilespmem:s26+$0x1B770] =	vst v1;
	v1 =	vld [tilespmem:s26+$0x19790];
	_ =	sdelay $0x1  }
0x18e: {  	v0 =	vld.idx.msk [tilespmem:v0+s5+$0x0], $0xffff;
	_ =	sdelay $0x4  }
0x18f: {  	[tilespmem:s26+$0x1B780] =	vst v0;
	v0 =	vld [tilespmem:s26+$0x197A0]  }
0x190: {  	v1 =	vld.idx.msk [tilespmem:v1+s5+$0x0], $0xffff;
	_ =	sdelay $0x4  }
0x191: {  	[tilespmem:s26+$0x1B790] =	vst v1;
	v1 =	vld [tilespmem:s26+$0x197B0];
	_ =	sdelay $0x1  }
0x192: {  	v0 =	vld.idx.msk [tilespmem:v0+s5+$0x0], $0xffff;
	_ =	sdelay $0x4  }
0x193: {  	[tilespmem:s26+$0x1B7A0] =	vst v0;
	v0 =	vld [tilespmem:s26+$0x197C0]  }
0x194: {  	v1 =	vld.idx.msk [tilespmem:v1+s5+$0x0], $0xffff;
	_ =	sdelay $0x4  }
0x195: {  	[tilespmem:s26+$0x1B7B0] =	vst v1;
	v1 =	vld [tilespmem:s26+$0x197D0];
	_ =	sdelay $0x1  }
0x196: {  	v0 =	vld.idx.msk [tilespmem:v0+s5+$0x0], $0xffff;
	_ =	sdelay $0x4  }
0x197: {  	v2 =	vld [tilespmem:s26+$0x197E0];
	[tilespmem:s26+$0x1B7C0] =	vst v0  }
0x198: {  	v0 =	vld.idx.msk [tilespmem:v1+s5+$0x0], $0xffff;
	_ =	sdelay $0x4  }
0x199: {  	[tilespmem:s26+$0x1B7D0] =	vst v0;
	v0 =	vld [tilespmem:s26+$0x197F0];
	_ =	sdelay $0x1  }
0x19a: {  	v1 =	vld.idx.msk [tilespmem:v2+s5+$0x0], $0xffff;
	_ =	sdelay $0x3  }
0x19b: {  	s0 =	simm.s32 $0x100;
	s2 =	simm.s32 $0x800  }
.LBB2_9:
0x19c: {  	p0 =	sne.s32 s2, $0x3C00;
	v2 =	vld [tilespmem:s0+$0x19700];
	[tilespmem:s26+$0x1B7E0] =	vst v1  }
0x19d: {  	v0 =	vld.idx.msk [tilespmem:v0+s5+$0x0], $0xffff;
	_ =	sdelay $0x5  }
0x19e: {  	v1 =	vld [tilespmem:s0+$0x19710];
	[tilespmem:s26+$0x1B7F0] =	vst v0;
	s26 =	smov.u32 s0  }
0x19f: {  	v0 =	vld.idx.msk [tilespmem:v2+s5+$0x0], $0xffff;
	_ =	sdelay $0x5  }
0x1a0: {  	[tilespmem:s26+$0x1B700] =	vst v0;
	v0 =	vld [tilespmem:s26+$0x19720]  }
0x1a1: {  	v1 =	vld.idx.msk [tilespmem:v1+s5+$0x0], $0xffff;
	_ =	sdelay $0x5  }
0x1a2: {  	[tilespmem:s26+$0x1B710] =	vst v1;
	v1 =	vld [tilespmem:s26+$0x19730]  }
0x1a3: {  	v0 =	vld.idx.msk [tilespmem:v0+s5+$0x0], $0xffff;
	_ =	sdelay $0x5  }
0x1a4: {  	[tilespmem:s26+$0x1B720] =	vst v0;
	v0 =	vld [tilespmem:s26+$0x19740]  }
0x1a5: {  	v1 =	vld.idx.msk [tilespmem:v1+s5+$0x0], $0xffff;
	_ =	sdelay $0x5  }
0x1a6: {  	[tilespmem:s26+$0x1B730] =	vst v1;
	v1 =	vld [tilespmem:s26+$0x19750]  }
0x1a7: {  	v0 =	vld.idx.msk [tilespmem:v0+s5+$0x0], $0xffff;
	_ =	sdelay $0x5  }
0x1a8: {  	[tilespmem:s26+$0x1B740] =	vst v0;
	v0 =	vld [tilespmem:s26+$0x19760]  }
0x1a9: {  	v1 =	vld.idx.msk [tilespmem:v1+s5+$0x0], $0xffff;
	_ =	sdelay $0x5  }
0x1aa: {  	[tilespmem:s26+$0x1B750] =	vst v1;
	v1 =	vld [tilespmem:s26+$0x19770]  }
0x1ab: {  	v0 =	vld.idx.msk [tilespmem:v0+s5+$0x0], $0xffff;
	_ =	sdelay $0x5  }
0x1ac: {  	[tilespmem:s26+$0x1B760] =	vst v0;
	v0 =	vld [tilespmem:s26+$0x19780]  }
0x1ad: {  	v1 =	vld.idx.msk [tilespmem:v1+s5+$0x0], $0xffff;
	_ =	sdelay $0x5  }
0x1ae: {  	[tilespmem:s26+$0x1B770] =	vst v1;
	v1 =	vld [tilespmem:s26+$0x19790]  }
0x1af: {  	v0 =	vld.idx.msk [tilespmem:v0+s5+$0x0], $0xffff;
	_ =	sdelay $0x5  }
0x1b0: {  	[tilespmem:s26+$0x1B780] =	vst v0;
	v0 =	vld [tilespmem:s26+$0x197A0]  }
0x1b1: {  	v1 =	vld.idx.msk [tilespmem:v1+s5+$0x0], $0xffff;
	_ =	sdelay $0x5  }
0x1b2: {  	[tilespmem:s26+$0x1B790] =	vst v1;
	v1 =	vld [tilespmem:s26+$0x197B0]  }
0x1b3: {  	v0 =	vld.idx.msk [tilespmem:v0+s5+$0x0], $0xffff;
	_ =	sdelay $0x5  }
0x1b4: {  	[tilespmem:s26+$0x1B7A0] =	vst v0;
	v0 =	vld [tilespmem:s26+$0x197C0]  }
0x1b5: {  	v1 =	vld.idx.msk [tilespmem:v1+s5+$0x0], $0xffff;
	_ =	sdelay $0x5  }
0x1b6: {  	[tilespmem:s26+$0x1B7B0] =	vst v1;
	v1 =	vld [tilespmem:s26+$0x197D0]  }
0x1b7: {  	v0 =	vld.idx.msk [tilespmem:v0+s5+$0x0], $0xffff;
	_ =	sdelay $0x5  }
0x1b8: {  	[tilespmem:s26+$0x1B7C0] =	vst v0;
	v2 =	vld [tilespmem:s26+$0x197E0]  }
0x1b9: {  	v0 =	vld.idx.msk [tilespmem:v1+s5+$0x0], $0xffff;
	_ =	sdelay $0x5  }
0x1ba: {  	[tilespmem:s26+$0x1B7D0] =	vst v0;
	v0 =	vld [tilespmem:s26+$0x197F0]  }
0x1bb: {  	v1 =	vld.idx.msk [tilespmem:v2+s5+$0x0], $0xffff  }
.Ltmp3:
0x1bc: {  	(pc) =	sbr.rel @p0 .LBB2_9-.Ltmp3, $2  }
0x1bd: {  	_ =	sdelay $0x2  }
0x1be: {  	s0 =	sshra.s32 s2, $0x2;
	s2 =	sadd.s32 $0x400, s2  }
0x1bf: {  	_ =	sdelay $0x1  }
0x1c0: {  	v2 =	vld [tilespmem:s0+$0x19700]  }
0x1c1: {  	[tilespmem:s26+$0x1B7E0] =	vst v1  }
0x1c2: {  	v0 =	vld.idx.msk [tilespmem:v0+s5+$0x0], $0xffff;
	_ =	sdelay $0x3  }
0x1c3: {  	v1 =	vld [tilespmem:s0+$0x19710]  }
0x1c4: {  	[tilespmem:s26+$0x1B7F0] =	vst v0  }
0x1c5: {  	v0 =	vld.idx.msk [tilespmem:v2+s5+$0x0], $0xffff;
	_ =	sdelay $0x3  }
0x1c6: {  	v50 =	vld [tilespmem:s0+$0x19720]  }
0x1c7: {  	[tilespmem:s0+$0x1B700] =	vst v0  }
0x1c8: {  	v1 =	vld.idx.msk [tilespmem:v1+s5+$0x0], $0xffff;
	_ =	sdelay $0x3  }
0x1c9: {  	v51 =	vld [tilespmem:s0+$0x19730]  }
0x1ca: {  	[tilespmem:s0+$0x1B710] =	vst v1  }
0x1cb: {  	v0 =	vld.idx.msk [tilespmem:v50+s5+$0x0], $0xffff;
	_ =	sdelay $0x3  }
0x1cc: {  	v52 =	vld [tilespmem:s0+$0x19740]  }
0x1cd: {  	[tilespmem:s0+$0x1B720] =	vst v0  }
0x1ce: {  	v1 =	vld.idx.msk [tilespmem:v51+s5+$0x0], $0xffff;
	_ =	sdelay $0x3  }
0x1cf: {  	v53 =	vld [tilespmem:s0+$0x19750]  }
0x1d0: {  	[tilespmem:s0+$0x1B730] =	vst v1  }
0x1d1: {  	v0 =	vld.idx.msk [tilespmem:v52+s5+$0x0], $0xffff;
	_ =	sdelay $0x3  }
0x1d2: {  	v54 =	vld [tilespmem:s0+$0x19760]  }
0x1d3: {  	[tilespmem:s0+$0x1B740] =	vst v0  }
0x1d4: {  	v1 =	vld.idx.msk [tilespmem:v53+s5+$0x0], $0xffff;
	_ =	sdelay $0x3  }
0x1d5: {  	v55 =	vld [tilespmem:s0+$0x19770]  }
0x1d6: {  	[tilespmem:s0+$0x1B750] =	vst v1  }
0x1d7: {  	v0 =	vld.idx.msk [tilespmem:v54+s5+$0x0], $0xffff;
	_ =	sdelay $0x3  }
0x1d8: {  	v56 =	vld [tilespmem:s0+$0x19780]  }
0x1d9: {  	[tilespmem:s0+$0x1B760] =	vst v0  }
0x1da: {  	v1 =	vld.idx.msk [tilespmem:v55+s5+$0x0], $0xffff;
	_ =	sdelay $0x3  }
0x1db: {  	v57 =	vld [tilespmem:s0+$0x19790]  }
0x1dc: {  	[tilespmem:s0+$0x1B770] =	vst v1  }
0x1dd: {  	v0 =	vld.idx.msk [tilespmem:v56+s5+$0x0], $0xffff;
	_ =	sdelay $0x3  }
0x1de: {  	v58 =	vld [tilespmem:s0+$0x197A0]  }
0x1df: {  	[tilespmem:s0+$0x1B780] =	vst v0  }
0x1e0: {  	v1 =	vld.idx.msk [tilespmem:v57+s5+$0x0], $0xffff;
	_ =	sdelay $0x3  }
0x1e1: {  	v59 =	vld [tilespmem:s0+$0x197B0]  }
0x1e2: {  	[tilespmem:s0+$0x1B790] =	vst v1  }
0x1e3: {  	v0 =	vld.idx.msk [tilespmem:v58+s5+$0x0], $0xffff;
	_ =	sdelay $0x3  }
0x1e4: {  	v60 =	vld [tilespmem:s0+$0x197C0]  }
0x1e5: {  	[tilespmem:s0+$0x1B7A0] =	vst v0  }
0x1e6: {  	v1 =	vld.idx.msk [tilespmem:v59+s5+$0x0], $0xffff;
	_ =	sdelay $0x3  }
0x1e7: {  	v61 =	vld [tilespmem:s0+$0x197D0]  }
0x1e8: {  	[tilespmem:s0+$0x1B7B0] =	vst v1  }
0x1e9: {  	v0 =	vld.idx.msk [tilespmem:v60+s5+$0x0], $0xffff;
	_ =	sdelay $0x3  }
0x1ea: {  	v62 =	vld [tilespmem:s0+$0x197E0]  }
0x1eb: {  	[tilespmem:s0+$0x1B7C0] =	vst v0  }
0x1ec: {  	v1 =	vld.idx.msk [tilespmem:v61+s5+$0x0], $0xffff;
	_ =	sdelay $0x3  }
0x1ed: {  	v63 =	vld [tilespmem:s0+$0x197F0]  }
0x1ee: {  	[tilespmem:s0+$0x1B7D0] =	vst v1  }
0x1ef: {  	v0 =	vld.idx.msk [tilespmem:v62+s5+$0x0], $0xffff;
	_ =	sdelay $0x4  }
0x1f0: {  	[tilespmem:s0+$0x1B7E0] =	vst v0  }
0x1f1: {  	s25 =	sadd.s32 $0x1, s25;
	v0 =	vld.idx.msk [tilespmem:v63+s5+$0x0], $0xffff  }
0x1f2: {  	p0 =	sne.s32 s25, $0xD  }
.Ltmp4:
0x1f3: {  	_ = 	snop;
	(pc) =	sbr.rel @p0 .LBB2_2-.Ltmp4, $3  }
0x1f4: {  	_ =	sdelay $0x1  }
0x1f5: {  	s31 =	sadd.s32 s28, s13;
	[tilespmem:s0+$0x1B7F0] =	vst v0  }
0x1f6: {  	[hbm4b:s31+s15] =	stream.strided.scatter [tilespmem:s22], [sflag:$0x2], $0x1000, s16, s15, $0x38;
	[tilespmem:$0x1C700] =	vst v63  }
0x1f7: {  	s24 =	sadd.s32 $0x1, s24  }
0x1f8: {  	_ =	swait.ge [sflag:s23], $0x1000;
	p0 =	sne.s32 s24, s14  }
.Ltmp5:
0x1f9: {  	[sflag:s23] =	ssyncset.done $0x0;
	(pc) =	sbr.rel @p0 .LBB2_1-.Ltmp5, $4  }
0x1fa: {  	[sflag:s23] =	ssyncadd.s32 $0xFFFFF000  }
0x1fb: {  	_ =	swait.ge [sflag:s23], $0x1000  }
0x1fc: {  	[sflag:s23] =	ssyncset.done $0x0  }
0x1fd: {  	[sflag:s23] =	ssyncadd.s32 $0xFFFFF000  }
0x1fe: {  	_ =	sfence.sel $0x180000  }
0x1ff: {  	[bflag:$0x0] =	sbarrier.arrive $0xFFFF  }
0x200: {  	_ =	strace $0x90000047  }
0x201: {  	s0 =	stileid.u32;
	[bflag:$0x2] =	sbarrier.arrive $0xFFFF  }
0x202: {  	p0 =	sne.s32 s0, $0x0;
	s0 =	rddreg [dreg:$0x3]  }
0x203: {  	s0 =	sadd.s32 @!p0 $0x100000, s0  }
0x204: {  	[sflag:s0] =	ssyncadd.tile.s32 @!p0 $0x1;
	_ =	shalt  }
.Lfunc_end2:
_tile_overlayer_lowered:
.L_overlay_start_2:
0x205: {  	(tag) =	ssettag $0x2  }
0x206: {  	s0 =	rddreg [dreg:$0x0];
	s2 =	stileid.u32  }
0x207: {  	s1 =	rddreg [dreg:$0x1];
	p0 =	sne.s32 s2, $0x0  }
0x208: {  	s3 =	rddreg [dreg:$0x2];
	[bflag:$0x3] =	sbarrier.arrive $0xFFFF;
	s2 =	simm.s32 @!p0 $0x1C03  }
0x209: {  	[timem:s3], [sflag:s2] =	dma.local @!p0 [hbm:s0], s1  }
0x20a: {  	s0 =	simm.s32 @!p0 $0x3  }
0x20b: {  	_ =	swait.ge @!p0 [sflag:s0], s1  }
0x20c: {  	s1 =	ssub.s32 @!p0 $0x0, s1;
	[sflag:s0] =	ssyncset.done @!p0 $0x0  }
0x20d: {  	[sflag:s0] =	ssyncadd.s32 @!p0 s1  }
0x20e: {  	[bflag:$0x3] =	sbarrier.arrive $0xFFFF  }
0x20f: {  	_ =	shalt  }

</sc_bundles>
